<compile_context>
chip_gen: v7x
topology: tpu7x:2x2x1
jax: 0.10.2.dev20260603
libtpu: 0.0.44.dev20260713+nightly
codegen_flags: <defaults>
</compile_context>

<pallas_src>
import functools

import jax
import jax.numpy as jnp
from jax import lax
from jax.experimental import pallas as pl
from jax.experimental.pallas import tpu as pltpu
from jax.experimental.pallas import tpu_sc as plsc

_B = 16384
_F = 26
_V = 1000000
_D = 13

_NC = 2
_NS = 16
_NW = _NC * _NS
_BPW = _B // _NW
_CH = 128
_CPF = _BPW // _CH
_EPW = _F * _BPW
_GPW = _BPW // 16


def _sc_embed_linear(tables, idx_flat, dense_flat, wb):
    mesh = plsc.VectorSubcoreMesh(core_axis_name="c", subcore_axis_name="s")

    @functools.partial(
        pl.kernel,
        mesh=mesh,
        compiler_params=pltpu.CompilerParams(needs_layout_passes=False),
        out_type=jax.ShapeDtypeStruct((_B,), jnp.float32),
        scratch_types=[
            pltpu.VMEM((_EPW,), jnp.int32),
            pltpu.VMEM((_EPW,), jnp.int32),
            pltpu.VMEM((_EPW,), jnp.float32),
            pltpu.VMEM((_D * _BPW,), jnp.float32),
            pltpu.VMEM((_F + _D + 1, 16), jnp.float32),
            pltpu.VMEM((_BPW,), jnp.float32),
            pltpu.SemaphoreType.DMA,
        ],
    )
    def k(*refs):
        tbl = refs[:_F]
        (idx_hbm, dense_hbm, wb_hbm, out_hbm,
         idx_v, idx_fm, g_v, dense_v, wb_v, out_v, sem) = refs[_F:]
        wid = lax.axis_index("s") * _NC + lax.axis_index("c")

        pltpu.sync_copy(idx_hbm.at[pl.ds(wid * _EPW, _EPW)], idx_v)

        iota = lax.iota(jnp.int32, 16)
        iota_f = iota * _F
        iota_d = iota * _D

        def xpose(s, carry):
            base = s * (16 * _F)
            for f in range(_F):
                v = plsc.load_gather(idx_v, [iota_f + (base + f)])
                idx_fm[pl.ds(f * _BPW + s * 16, 16)] = v
            return carry
        lax.fori_loop(0, _GPW, xpose, 0)

        for f in range(_F):
            tref = tbl[f]

            def fire(c, carry, tref=tref, f=f):
                o = f * _BPW + c * _CH
                pltpu.make_async_copy(
                    tref.at[idx_fm.at[pl.ds(o, _CH)]],
                    g_v.at[pl.ds(o, _CH)], sem).start()
                return carry
            lax.fori_loop(0, _CPF, fire, 0)

        pltpu.sync_copy(dense_hbm.at[pl.ds(wid * _D * _BPW, _D * _BPW)],
                        dense_v)
        pltpu.sync_copy(wb_hbm, wb_v)

        def dense_part(s, carry):
            acc = wb_v[_F + _D]
            dbase = s * (16 * _D)
            for d in range(_D):
                v = plsc.load_gather(dense_v, [iota_d + (dbase + d)])
                acc = acc + v * wb_v[_F + d]
            out_v[pl.ds(s * 16, 16)] = acc
            return carry
        lax.fori_loop(0, _GPW, dense_part, 0)

        def drain(j, carry):
            pltpu.make_async_copy(
                tbl[0].at[idx_fm.at[pl.ds(0, _CH)]],
                g_v.at[pl.ds(0, _CH)], sem).wait()
            return carry
        lax.fori_loop(0, _F * _CPF, drain, 0)

        def emb_part(s, carry):
            acc = out_v[pl.ds(s * 16, 16)]
            for f in range(_F):
                v = g_v[pl.ds(f * _BPW + s * 16, 16)]
                acc = acc + v * wb_v[f]
            out_v[pl.ds(s * 16, 16)] = acc
            return carry
        lax.fori_loop(0, _GPW, emb_part, 0)

        pltpu.sync_copy(out_v, out_hbm.at[pl.ds(wid * _BPW, _BPW)])

    return k(*tables, idx_flat, dense_flat, wb)


def kernel(sparse_idx, dense, emb_tables, fc_w, fc_b):
    tables = [
        lax.squeeze(lax.slice_in_dim(emb_tables, f, f + 1, axis=0), (0, 2))
        for f in range(_F)]
    idx_flat = sparse_idx.reshape(_B * _F)
    dense_flat = dense.reshape(_B * _D)
    wb = jnp.broadcast_to(
        jnp.concatenate([fc_w.reshape(-1), fc_b]).reshape(_F + _D + 1, 1),
        (_F + _D + 1, 16))
    out = _sc_embed_linear(tables, idx_flat, dense_flat, wb)
    return out.reshape(_B, 1)

# --- scband reference (transcript-rebuilt; emitter-appended) ---
"""Pipeline reference for scband-weed-7421703487653 (READ-ONLY COPY).

The authoritative reference and input builder live on the scoring server;
editing this copy changes nothing except your own understanding.
"""

import jax, jax.numpy as jnp
import numpy as np

B = 16384
F = 26
V = 1000000
D = 13


def setup_inputs(seed: int = 0) -> dict:
    key = jax.random.key(seed)
    k1, k2, k3, k4 = jax.random.split(key, 4)
    sparse_idx = jax.random.randint(k1, (B, F), 0, V, dtype=jnp.int32)
    dense = jax.random.normal(k2, (B, D), dtype=jnp.float32)
    emb_tables = jax.random.normal(k3, (F, V, 1), dtype=jnp.float32) * 0.01
    fc_w = jax.random.normal(k4, (F + D, 1), dtype=jnp.float32) * 0.05
    fc_b = jnp.zeros((1,), dtype=jnp.float32)
    return {
        'sparse_idx': sparse_idx,
        'dense': dense,
        'emb_tables': emb_tables,
        'fc_w': fc_w,
        'fc_b': fc_b,
    }


def reference(sparse_idx, dense, emb_tables, fc_w, fc_b):
    # EmbeddingLayer: one embedding table per sparse field, embedding_dim=1.
    # Gather: emb_tables[f][sparse_idx[:, f]] for each field f -> [B, F, 1]
    f_ids = jnp.arange(emb_tables.shape[0])
    sparse_emb = emb_tables[f_ids[None, :], sparse_idx]  # [B, F, 1]
    # torch.stack(..., dim=1).flatten(start_dim=1) -> [B, F*1]
    sparse_flat = sparse_emb.reshape(sparse_emb.shape[0], -1)
    # get_linear_input: concat dense features -> [B, D]
    dnn_input = jnp.concatenate([sparse_flat, dense], axis=1)  # [B, F + D]
    out = dnn_input @ fc_w + fc_b  # [B, 1]
    return out

if __name__ == "__main__":
    import jax
    _d = setup_inputs()
    print(jax.jit(kernel)(*tuple(_d.values())))

</pallas_src>

<mosaic_0001>
#map = affine_map<(d0, d1) -> (0)>
#map1 = affine_map<(d0, d1) -> (0, 0)>
module attributes {stable_mosaic.version = 14 : i64} {
  func.func @k(%arg0: i32, %arg1: i32, %arg2: memref<1000000xf32, #tpu.memory_space<hbm>>, %arg3: memref<1000000xf32, #tpu.memory_space<hbm>>, %arg4: memref<1000000xf32, #tpu.memory_space<hbm>>, %arg5: memref<1000000xf32, #tpu.memory_space<hbm>>, %arg6: memref<1000000xf32, #tpu.memory_space<hbm>>, %arg7: memref<1000000xf32, #tpu.memory_space<hbm>>, %arg8: memref<1000000xf32, #tpu.memory_space<hbm>>, %arg9: memref<1000000xf32, #tpu.memory_space<hbm>>, %arg10: memref<1000000xf32, #tpu.memory_space<hbm>>, %arg11: memref<1000000xf32, #tpu.memory_space<hbm>>, %arg12: memref<1000000xf32, #tpu.memory_space<hbm>>, %arg13: memref<1000000xf32, #tpu.memory_space<hbm>>, %arg14: memref<1000000xf32, #tpu.memory_space<hbm>>, %arg15: memref<1000000xf32, #tpu.memory_space<hbm>>, %arg16: memref<1000000xf32, #tpu.memory_space<hbm>>, %arg17: memref<1000000xf32, #tpu.memory_space<hbm>>, %arg18: memref<1000000xf32, #tpu.memory_space<hbm>>, %arg19: memref<1000000xf32, #tpu.memory_space<hbm>>, %arg20: memref<1000000xf32, #tpu.memory_space<hbm>>, %arg21: memref<1000000xf32, #tpu.memory_space<hbm>>, %arg22: memref<1000000xf32, #tpu.memory_space<hbm>>, %arg23: memref<1000000xf32, #tpu.memory_space<hbm>>, %arg24: memref<1000000xf32, #tpu.memory_space<hbm>>, %arg25: memref<1000000xf32, #tpu.memory_space<hbm>>, %arg26: memref<1000000xf32, #tpu.memory_space<hbm>>, %arg27: memref<1000000xf32, #tpu.memory_space<hbm>>, %arg28: memref<425984xi32, #tpu.memory_space<hbm>>, %arg29: memref<212992xf32, #tpu.memory_space<hbm>>, %arg30: memref<40x16xf32, #tpu.memory_space<hbm>>, %arg31: memref<16384xf32, #tpu.memory_space<hbm>>, %arg32: memref<13312xi32, #tpu.memory_space<vmem>>, %arg33: memref<13312xi32, #tpu.memory_space<vmem>>, %arg34: memref<13312xf32, #tpu.memory_space<vmem>>, %arg35: memref<6656xf32, #tpu.memory_space<vmem>>, %arg36: memref<40x16xf32, #tpu.memory_space<vmem>>, %arg37: memref<512xf32, #tpu.memory_space<vmem>>, %arg38: memref<!tpu.dma_semaphore, #tpu.memory_space<semaphore_mem>>) attributes {dimension_semantics = [#tpu.dimension_semantics<core_parallel>, #tpu.dimension_semantics<subcore_parallel>], iteration_bounds = array<i64: 2, 16>, scalar_prefetch = 0 : i64, scratch_operands = 7 : i64, tpu.core_type = #tpu.core_type<sc_vector_subcore>, window_params = [{transform_indices = #map}, {transform_indices = #map}, {transform_indices = #map}, {transform_indices = #map}, {transform_indices = #map}, {transform_indices = #map}, {transform_indices = #map}, {transform_indices = #map}, {transform_indices = #map}, {transform_indices = #map}, {transform_indices = #map}, {transform_indices = #map}, {transform_indices = #map}, {transform_indices = #map}, {transform_indices = #map}, {transform_indices = #map}, {transform_indices = #map}, {transform_indices = #map}, {transform_indices = #map}, {transform_indices = #map}, {transform_indices = #map}, {transform_indices = #map}, {transform_indices = #map}, {transform_indices = #map}, {transform_indices = #map}, {transform_indices = #map}, {transform_indices = #map}, {transform_indices = #map}, {transform_indices = #map1}, {transform_indices = #map}]} {
    %mul3A = arith.constant 2 : i32
    %mul3A_0 = arith.muli %arg1, %mul3A : i32
    %add3A = arith.addi %mul3A_0, %arg0 : i32
    %mul3A_1 = arith.constant 13312 : i32
    %mul3A_2 = arith.muli %add3A, %mul3A_1 : i32
    "tpu.region"() ({
      %run_scoped3A = tpu.sem_alloc : memref<!tpu.dma_semaphore, #tpu.memory_space<semaphore_mem>>
      %dma_start3A = tpu.memref_slice %arg28[%mul3A_2] : memref<425984xi32, #tpu.memory_space<hbm>> -> memref<13312xi32, #tpu.memory_space<hbm>>
      %dma_start3A_194 = tpu.memref_slice %arg28[%mul3A_2] : memref<425984xi32, #tpu.memory_space<hbm>> -> memref<13312xi32, #tpu.memory_space<hbm>>
      tpu.enqueue_dma source(%dma_start3A_194 : memref<13312xi32, #tpu.memory_space<hbm>>) target(%arg32 : memref<13312xi32, #tpu.memory_space<vmem>>) target_semaphore(%run_scoped3A : memref<!tpu.dma_semaphore, #tpu.memory_space<semaphore_mem>>)
      %dma_wait3A = tpu.memref_slice %arg28[%mul3A_2] : memref<425984xi32, #tpu.memory_space<hbm>> -> memref<13312xi32, #tpu.memory_space<hbm>>
      %dma_wait3A_195 = tpu.memref_slice %arg28[%mul3A_2] : memref<425984xi32, #tpu.memory_space<hbm>> -> memref<13312xi32, #tpu.memory_space<hbm>>
      tpu.wait_dma2 semaphore(%run_scoped3A : memref<!tpu.dma_semaphore, #tpu.memory_space<semaphore_mem>>) src(%dma_wait3A_195 : memref<13312xi32, #tpu.memory_space<hbm>>) dst(%arg32 : memref<13312xi32, #tpu.memory_space<vmem>>)
      tpu.yield
    }) : () -> ()
    %iota3A = tpu.iota {dimensions = array<i32: 0>} : vector<16xi32>
    %mul3A_3 = arith.constant 26 : i32
    %mul3A_4 = vector.broadcast %mul3A_3 : i32 to vector<16xi32>
    %mul3A_5 = arith.muli %iota3A, %mul3A_4 : vector<16xi32>
    %mul3A_6 = arith.constant 13 : i32
    %mul3A_7 = vector.broadcast %mul3A_6 : i32 to vector<16xi32>
    %mul3A_8 = arith.muli %iota3A, %mul3A_7 : vector<16xi32>
    %scan3A = arith.constant 0 : i32
    %scan3A_9 = arith.constant 0 : i32
    %scan3A_10 = arith.constant 32 : i32
    %scan3A_11 = arith.addi %scan3A_9, %scan3A_10 : i32
    %scan3A_12 = arith.constant 1 : i32
    scf.for %scan3A_194 = %scan3A_9 to %scan3A_11 step %scan3A_12  : i32 {
      %mul3A_195 = arith.constant 416 : i32
      %mul3A_196 = arith.muli %scan3A_194, %mul3A_195 : i32
      %add3A_197 = arith.constant 0 : i32
      %add3A_198 = arith.addi %mul3A_196, %add3A_197 : i32
      %add3A_199 = vector.broadcast %add3A_198 : i32 to vector<16xi32>
      %add3A_200 = arith.addi %mul3A_5, %add3A_199 : vector<16xi32>
      %gather3A = tpu.vector_load_idx %arg32[%add3A_200] : memref<13312xi32, #tpu.memory_space<vmem>>[vector<16xi32>], vector<16xi32>,
      %mul3A_201 = arith.constant 16 : i32
      %mul3A_202 = arith.muli %scan3A_194, %mul3A_201 : i32
      %add3A_203 = arith.constant 0 : i32
      %add3A_204 = arith.addi %add3A_203, %mul3A_202 : i32
      %swap3A = arith.index_cast %add3A_204 : i32 to index
      %swap3A_205 = tpu.vector_load %arg33[%swap3A] {strides = array<i32>} : memref<13312xi32, #tpu.memory_space<vmem>>, vector<16xi32>,
      tpu.vector_store %arg33[%swap3A], %gather3A {strides = array<i32>} : memref<13312xi32, #tpu.memory_space<vmem>>, vector<16xi32>,
      %add3A_206 = arith.constant 1 : i32
      %add3A_207 = arith.addi %mul3A_196, %add3A_206 : i32
      %add3A_208 = vector.broadcast %add3A_207 : i32 to vector<16xi32>
      %add3A_209 = arith.addi %mul3A_5, %add3A_208 : vector<16xi32>
      %gather3A_210 = tpu.vector_load_idx %arg32[%add3A_209] : memref<13312xi32, #tpu.memory_space<vmem>>[vector<16xi32>], vector<16xi32>,
      %mul3A_211 = arith.constant 16 : i32
      %mul3A_212 = arith.muli %scan3A_194, %mul3A_211 : i32
      %add3A_213 = arith.constant 512 : i32
      %add3A_214 = arith.addi %add3A_213, %mul3A_212 : i32
      %swap3A_215 = arith.index_cast %add3A_214 : i32 to index
      %swap3A_216 = tpu.vector_load %arg33[%swap3A_215] {strides = array<i32>} : memref<13312xi32, #tpu.memory_space<vmem>>, vector<16xi32>,
      tpu.vector_store %arg33[%swap3A_215], %gather3A_210 {strides = array<i32>} : memref<13312xi32, #tpu.memory_space<vmem>>, vector<16xi32>,
      %add3A_217 = arith.constant 2 : i32
      %add3A_218 = arith.addi %mul3A_196, %add3A_217 : i32
      %add3A_219 = vector.broadcast %add3A_218 : i32 to vector<16xi32>
      %add3A_220 = arith.addi %mul3A_5, %add3A_219 : vector<16xi32>
      %gather3A_221 = tpu.vector_load_idx %arg32[%add3A_220] : memref<13312xi32, #tpu.memory_space<vmem>>[vector<16xi32>], vector<16xi32>,
      %mul3A_222 = arith.constant 16 : i32
      %mul3A_223 = arith.muli %scan3A_194, %mul3A_222 : i32
      %add3A_224 = arith.constant 1024 : i32
      %add3A_225 = arith.addi %add3A_224, %mul3A_223 : i32
      %swap3A_226 = arith.index_cast %add3A_225 : i32 to index
      %swap3A_227 = tpu.vector_load %arg33[%swap3A_226] {strides = array<i32>} : memref<13312xi32, #tpu.memory_space<vmem>>, vector<16xi32>,
      tpu.vector_store %arg33[%swap3A_226], %gather3A_221 {strides = array<i32>} : memref<13312xi32, #tpu.memory_space<vmem>>, vector<16xi32>,
      %add3A_228 = arith.constant 3 : i32
      %add3A_229 = arith.addi %mul3A_196, %add3A_228 : i32
      %add3A_230 = vector.broadcast %add3A_229 : i32 to vector<16xi32>
      %add3A_231 = arith.addi %mul3A_5, %add3A_230 : vector<16xi32>
      %gather3A_232 = tpu.vector_load_idx %arg32[%add3A_231] : memref<13312xi32, #tpu.memory_space<vmem>>[vector<16xi32>], vector<16xi32>,
      %mul3A_233 = arith.constant 16 : i32
      %mul3A_234 = arith.muli %scan3A_194, %mul3A_233 : i32
      %add3A_235 = arith.constant 1536 : i32
      %add3A_236 = arith.addi %add3A_235, %mul3A_234 : i32
      %swap3A_237 = arith.index_cast %add3A_236 : i32 to index
      %swap3A_238 = tpu.vector_load %arg33[%swap3A_237] {strides = array<i32>} : memref<13312xi32, #tpu.memory_space<vmem>>, vector<16xi32>,
      tpu.vector_store %arg33[%swap3A_237], %gather3A_232 {strides = array<i32>} : memref<13312xi32, #tpu.memory_space<vmem>>, vector<16xi32>,
      %add3A_239 = arith.constant 4 : i32
      %add3A_240 = arith.addi %mul3A_196, %add3A_239 : i32
      %add3A_241 = vector.broadcast %add3A_240 : i32 to vector<16xi32>
      %add3A_242 = arith.addi %mul3A_5, %add3A_241 : vector<16xi32>
      %gather3A_243 = tpu.vector_load_idx %arg32[%add3A_242] : memref<13312xi32, #tpu.memory_space<vmem>>[vector<16xi32>], vector<16xi32>,
      %mul3A_244 = arith.constant 16 : i32
      %mul3A_245 = arith.muli %scan3A_194, %mul3A_244 : i32
      %add3A_246 = arith.constant 2048 : i32
      %add3A_247 = arith.addi %add3A_246, %mul3A_245 : i32
      %swap3A_248 = arith.index_cast %add3A_247 : i32 to index
      %swap3A_249 = tpu.vector_load %arg33[%swap3A_248] {strides = array<i32>} : memref<13312xi32, #tpu.memory_space<vmem>>, vector<16xi32>,
      tpu.vector_store %arg33[%swap3A_248], %gather3A_243 {strides = array<i32>} : memref<13312xi32, #tpu.memory_space<vmem>>, vector<16xi32>,
      %add3A_250 = arith.constant 5 : i32
      %add3A_251 = arith.addi %mul3A_196, %add3A_250 : i32
      %add3A_252 = vector.broadcast %add3A_251 : i32 to vector<16xi32>
      %add3A_253 = arith.addi %mul3A_5, %add3A_252 : vector<16xi32>
      %gather3A_254 = tpu.vector_load_idx %arg32[%add3A_253] : memref<13312xi32, #tpu.memory_space<vmem>>[vector<16xi32>], vector<16xi32>,
      %mul3A_255 = arith.constant 16 : i32
      %mul3A_256 = arith.muli %scan3A_194, %mul3A_255 : i32
      %add3A_257 = arith.constant 2560 : i32
      %add3A_258 = arith.addi %add3A_257, %mul3A_256 : i32
      %swap3A_259 = arith.index_cast %add3A_258 : i32 to index
      %swap3A_260 = tpu.vector_load %arg33[%swap3A_259] {strides = array<i32>} : memref<13312xi32, #tpu.memory_space<vmem>>, vector<16xi32>,
      tpu.vector_store %arg33[%swap3A_259], %gather3A_254 {strides = array<i32>} : memref<13312xi32, #tpu.memory_space<vmem>>, vector<16xi32>,
      %add3A_261 = arith.constant 6 : i32
      %add3A_262 = arith.addi %mul3A_196, %add3A_261 : i32
      %add3A_263 = vector.broadcast %add3A_262 : i32 to vector<16xi32>
      %add3A_264 = arith.addi %mul3A_5, %add3A_263 : vector<16xi32>
      %gather3A_265 = tpu.vector_load_idx %arg32[%add3A_264] : memref<13312xi32, #tpu.memory_space<vmem>>[vector<16xi32>], vector<16xi32>,
      %mul3A_266 = arith.constant 16 : i32
      %mul3A_267 = arith.muli %scan3A_194, %mul3A_266 : i32
      %add3A_268 = arith.constant 3072 : i32
      %add3A_269 = arith.addi %add3A_268, %mul3A_267 : i32
      %swap3A_270 = arith.index_cast %add3A_269 : i32 to index
      %swap3A_271 = tpu.vector_load %arg33[%swap3A_270] {strides = array<i32>} : memref<13312xi32, #tpu.memory_space<vmem>>, vector<16xi32>,
      tpu.vector_store %arg33[%swap3A_270], %gather3A_265 {strides = array<i32>} : memref<13312xi32, #tpu.memory_space<vmem>>, vector<16xi32>,
      %add3A_272 = arith.constant 7 : i32
      %add3A_273 = arith.addi %mul3A_196, %add3A_272 : i32
      %add3A_274 = vector.broadcast %add3A_273 : i32 to vector<16xi32>
      %add3A_275 = arith.addi %mul3A_5, %add3A_274 : vector<16xi32>
      %gather3A_276 = tpu.vector_load_idx %arg32[%add3A_275] : memref<13312xi32, #tpu.memory_space<vmem>>[vector<16xi32>], vector<16xi32>,
      %mul3A_277 = arith.constant 16 : i32
      %mul3A_278 = arith.muli %scan3A_194, %mul3A_277 : i32
      %add3A_279 = arith.constant 3584 : i32
      %add3A_280 = arith.addi %add3A_279, %mul3A_278 : i32
      %swap3A_281 = arith.index_cast %add3A_280 : i32 to index
      %swap3A_282 = tpu.vector_load %arg33[%swap3A_281] {strides = array<i32>} : memref<13312xi32, #tpu.memory_space<vmem>>, vector<16xi32>,
      tpu.vector_store %arg33[%swap3A_281], %gather3A_276 {strides = array<i32>} : memref<13312xi32, #tpu.memory_space<vmem>>, vector<16xi32>,
      %add3A_283 = arith.constant 8 : i32
      %add3A_284 = arith.addi %mul3A_196, %add3A_283 : i32
      %add3A_285 = vector.broadcast %add3A_284 : i32 to vector<16xi32>
      %add3A_286 = arith.addi %mul3A_5, %add3A_285 : vector<16xi32>
      %gather3A_287 = tpu.vector_load_idx %arg32[%add3A_286] : memref<13312xi32, #tpu.memory_space<vmem>>[vector<16xi32>], vector<16xi32>,
      %mul3A_288 = arith.constant 16 : i32
      %mul3A_289 = arith.muli %scan3A_194, %mul3A_288 : i32
      %add3A_290 = arith.constant 4096 : i32
      %add3A_291 = arith.addi %add3A_290, %mul3A_289 : i32
      %swap3A_292 = arith.index_cast %add3A_291 : i32 to index
      %swap3A_293 = tpu.vector_load %arg33[%swap3A_292] {strides = array<i32>} : memref<13312xi32, #tpu.memory_space<vmem>>, vector<16xi32>,
      tpu.vector_store %arg33[%swap3A_292], %gather3A_287 {strides = array<i32>} : memref<13312xi32, #tpu.memory_space<vmem>>, vector<16xi32>,
      %add3A_294 = arith.constant 9 : i32
      %add3A_295 = arith.addi %mul3A_196, %add3A_294 : i32
      %add3A_296 = vector.broadcast %add3A_295 : i32 to vector<16xi32>
      %add3A_297 = arith.addi %mul3A_5, %add3A_296 : vector<16xi32>
      %gather3A_298 = tpu.vector_load_idx %arg32[%add3A_297] : memref<13312xi32, #tpu.memory_space<vmem>>[vector<16xi32>], vector<16xi32>,
      %mul3A_299 = arith.constant 16 : i32
      %mul3A_300 = arith.muli %scan3A_194, %mul3A_299 : i32
      %add3A_301 = arith.constant 4608 : i32
      %add3A_302 = arith.addi %add3A_301, %mul3A_300 : i32
      %swap3A_303 = arith.index_cast %add3A_302 : i32 to index
      %swap3A_304 = tpu.vector_load %arg33[%swap3A_303] {strides = array<i32>} : memref<13312xi32, #tpu.memory_space<vmem>>, vector<16xi32>,
      tpu.vector_store %arg33[%swap3A_303], %gather3A_298 {strides = array<i32>} : memref<13312xi32, #tpu.memory_space<vmem>>, vector<16xi32>,
      %add3A_305 = arith.constant 10 : i32
      %add3A_306 = arith.addi %mul3A_196, %add3A_305 : i32
      %add3A_307 = vector.broadcast %add3A_306 : i32 to vector<16xi32>
      %add3A_308 = arith.addi %mul3A_5, %add3A_307 : vector<16xi32>
      %gather3A_309 = tpu.vector_load_idx %arg32[%add3A_308] : memref<13312xi32, #tpu.memory_space<vmem>>[vector<16xi32>], vector<16xi32>,
      %mul3A_310 = arith.constant 16 : i32
      %mul3A_311 = arith.muli %scan3A_194, %mul3A_310 : i32
      %add3A_312 = arith.constant 5120 : i32
      %add3A_313 = arith.addi %add3A_312, %mul3A_311 : i32
      %swap3A_314 = arith.index_cast %add3A_313 : i32 to index
      %swap3A_315 = tpu.vector_load %arg33[%swap3A_314] {strides = array<i32>} : memref<13312xi32, #tpu.memory_space<vmem>>, vector<16xi32>,
      tpu.vector_store %arg33[%swap3A_314], %gather3A_309 {strides = array<i32>} : memref<13312xi32, #tpu.memory_space<vmem>>, vector<16xi32>,
      %add3A_316 = arith.constant 11 : i32
      %add3A_317 = arith.addi %mul3A_196, %add3A_316 : i32
      %add3A_318 = vector.broadcast %add3A_317 : i32 to vector<16xi32>
      %add3A_319 = arith.addi %mul3A_5, %add3A_318 : vector<16xi32>
      %gather3A_320 = tpu.vector_load_idx %arg32[%add3A_319] : memref<13312xi32, #tpu.memory_space<vmem>>[vector<16xi32>], vector<16xi32>,
      %mul3A_321 = arith.constant 16 : i32
      %mul3A_322 = arith.muli %scan3A_194, %mul3A_321 : i32
      %add3A_323 = arith.constant 5632 : i32
      %add3A_324 = arith.addi %add3A_323, %mul3A_322 : i32
      %swap3A_325 = arith.index_cast %add3A_324 : i32 to index
      %swap3A_326 = tpu.vector_load %arg33[%swap3A_325] {strides = array<i32>} : memref<13312xi32, #tpu.memory_space<vmem>>, vector<16xi32>,
      tpu.vector_store %arg33[%swap3A_325], %gather3A_320 {strides = array<i32>} : memref<13312xi32, #tpu.memory_space<vmem>>, vector<16xi32>,
      %add3A_327 = arith.constant 12 : i32
      %add3A_328 = arith.addi %mul3A_196, %add3A_327 : i32
      %add3A_329 = vector.broadcast %add3A_328 : i32 to vector<16xi32>
      %add3A_330 = arith.addi %mul3A_5, %add3A_329 : vector<16xi32>
      %gather3A_331 = tpu.vector_load_idx %arg32[%add3A_330] : memref<13312xi32, #tpu.memory_space<vmem>>[vector<16xi32>], vector<16xi32>,
      %mul3A_332 = arith.constant 16 : i32
      %mul3A_333 = arith.muli %scan3A_194, %mul3A_332 : i32
      %add3A_334 = arith.constant 6144 : i32
      %add3A_335 = arith.addi %add3A_334, %mul3A_333 : i32
      %swap3A_336 = arith.index_cast %add3A_335 : i32 to index
      %swap3A_337 = tpu.vector_load %arg33[%swap3A_336] {strides = array<i32>} : memref<13312xi32, #tpu.memory_space<vmem>>, vector<16xi32>,
      tpu.vector_store %arg33[%swap3A_336], %gather3A_331 {strides = array<i32>} : memref<13312xi32, #tpu.memory_space<vmem>>, vector<16xi32>,
      %add3A_338 = arith.constant 13 : i32
      %add3A_339 = arith.addi %mul3A_196, %add3A_338 : i32
      %add3A_340 = vector.broadcast %add3A_339 : i32 to vector<16xi32>
      %add3A_341 = arith.addi %mul3A_5, %add3A_340 : vector<16xi32>
      %gather3A_342 = tpu.vector_load_idx %arg32[%add3A_341] : memref<13312xi32, #tpu.memory_space<vmem>>[vector<16xi32>], vector<16xi32>,
      %mul3A_343 = arith.constant 16 : i32
      %mul3A_344 = arith.muli %scan3A_194, %mul3A_343 : i32
      %add3A_345 = arith.constant 6656 : i32
      %add3A_346 = arith.addi %add3A_345, %mul3A_344 : i32
      %swap3A_347 = arith.index_cast %add3A_346 : i32 to index
      %swap3A_348 = tpu.vector_load %arg33[%swap3A_347] {strides = array<i32>} : memref<13312xi32, #tpu.memory_space<vmem>>, vector<16xi32>,
      tpu.vector_store %arg33[%swap3A_347], %gather3A_342 {strides = array<i32>} : memref<13312xi32, #tpu.memory_space<vmem>>, vector<16xi32>,
      %add3A_349 = arith.constant 14 : i32
      %add3A_350 = arith.addi %mul3A_196, %add3A_349 : i32
      %add3A_351 = vector.broadcast %add3A_350 : i32 to vector<16xi32>
      %add3A_352 = arith.addi %mul3A_5, %add3A_351 : vector<16xi32>
      %gather3A_353 = tpu.vector_load_idx %arg32[%add3A_352] : memref<13312xi32, #tpu.memory_space<vmem>>[vector<16xi32>], vector<16xi32>,
      %mul3A_354 = arith.constant 16 : i32
      %mul3A_355 = arith.muli %scan3A_194, %mul3A_354 : i32
      %add3A_356 = arith.constant 7168 : i32
      %add3A_357 = arith.addi %add3A_356, %mul3A_355 : i32
      %swap3A_358 = arith.index_cast %add3A_357 : i32 to index
      %swap3A_359 = tpu.vector_load %arg33[%swap3A_358] {strides = array<i32>} : memref<13312xi32, #tpu.memory_space<vmem>>, vector<16xi32>,
      tpu.vector_store %arg33[%swap3A_358], %gather3A_353 {strides = array<i32>} : memref<13312xi32, #tpu.memory_space<vmem>>, vector<16xi32>,
      %add3A_360 = arith.constant 15 : i32
      %add3A_361 = arith.addi %mul3A_196, %add3A_360 : i32
      %add3A_362 = vector.broadcast %add3A_361 : i32 to vector<16xi32>
      %add3A_363 = arith.addi %mul3A_5, %add3A_362 : vector<16xi32>
      %gather3A_364 = tpu.vector_load_idx %arg32[%add3A_363] : memref<13312xi32, #tpu.memory_space<vmem>>[vector<16xi32>], vector<16xi32>,
      %mul3A_365 = arith.constant 16 : i32
      %mul3A_366 = arith.muli %scan3A_194, %mul3A_365 : i32
      %add3A_367 = arith.constant 7680 : i32
      %add3A_368 = arith.addi %add3A_367, %mul3A_366 : i32
      %swap3A_369 = arith.index_cast %add3A_368 : i32 to index
      %swap3A_370 = tpu.vector_load %arg33[%swap3A_369] {strides = array<i32>} : memref<13312xi32, #tpu.memory_space<vmem>>, vector<16xi32>,
      tpu.vector_store %arg33[%swap3A_369], %gather3A_364 {strides = array<i32>} : memref<13312xi32, #tpu.memory_space<vmem>>, vector<16xi32>,
      %add3A_371 = arith.constant 16 : i32
      %add3A_372 = arith.addi %mul3A_196, %add3A_371 : i32
      %add3A_373 = vector.broadcast %add3A_372 : i32 to vector<16xi32>
      %add3A_374 = arith.addi %mul3A_5, %add3A_373 : vector<16xi32>
      %gather3A_375 = tpu.vector_load_idx %arg32[%add3A_374] : memref<13312xi32, #tpu.memory_space<vmem>>[vector<16xi32>], vector<16xi32>,
      %mul3A_376 = arith.constant 16 : i32
      %mul3A_377 = arith.muli %scan3A_194, %mul3A_376 : i32
      %add3A_378 = arith.constant 8192 : i32
      %add3A_379 = arith.addi %add3A_378, %mul3A_377 : i32
      %swap3A_380 = arith.index_cast %add3A_379 : i32 to index
      %swap3A_381 = tpu.vector_load %arg33[%swap3A_380] {strides = array<i32>} : memref<13312xi32, #tpu.memory_space<vmem>>, vector<16xi32>,
      tpu.vector_store %arg33[%swap3A_380], %gather3A_375 {strides = array<i32>} : memref<13312xi32, #tpu.memory_space<vmem>>, vector<16xi32>,
      %add3A_382 = arith.constant 17 : i32
      %add3A_383 = arith.addi %mul3A_196, %add3A_382 : i32
      %add3A_384 = vector.broadcast %add3A_383 : i32 to vector<16xi32>
      %add3A_385 = arith.addi %mul3A_5, %add3A_384 : vector<16xi32>
      %gather3A_386 = tpu.vector_load_idx %arg32[%add3A_385] : memref<13312xi32, #tpu.memory_space<vmem>>[vector<16xi32>], vector<16xi32>,
      %mul3A_387 = arith.constant 16 : i32
      %mul3A_388 = arith.muli %scan3A_194, %mul3A_387 : i32
      %add3A_389 = arith.constant 8704 : i32
      %add3A_390 = arith.addi %add3A_389, %mul3A_388 : i32
      %swap3A_391 = arith.index_cast %add3A_390 : i32 to index
      %swap3A_392 = tpu.vector_load %arg33[%swap3A_391] {strides = array<i32>} : memref<13312xi32, #tpu.memory_space<vmem>>, vector<16xi32>,
      tpu.vector_store %arg33[%swap3A_391], %gather3A_386 {strides = array<i32>} : memref<13312xi32, #tpu.memory_space<vmem>>, vector<16xi32>,
      %add3A_393 = arith.constant 18 : i32
      %add3A_394 = arith.addi %mul3A_196, %add3A_393 : i32
      %add3A_395 = vector.broadcast %add3A_394 : i32 to vector<16xi32>
      %add3A_396 = arith.addi %mul3A_5, %add3A_395 : vector<16xi32>
      %gather3A_397 = tpu.vector_load_idx %arg32[%add3A_396] : memref<13312xi32, #tpu.memory_space<vmem>>[vector<16xi32>], vector<16xi32>,
      %mul3A_398 = arith.constant 16 : i32
      %mul3A_399 = arith.muli %scan3A_194, %mul3A_398 : i32
      %add3A_400 = arith.constant 9216 : i32
      %add3A_401 = arith.addi %add3A_400, %mul3A_399 : i32
      %swap3A_402 = arith.index_cast %add3A_401 : i32 to index
      %swap3A_403 = tpu.vector_load %arg33[%swap3A_402] {strides = array<i32>} : memref<13312xi32, #tpu.memory_space<vmem>>, vector<16xi32>,
      tpu.vector_store %arg33[%swap3A_402], %gather3A_397 {strides = array<i32>} : memref<13312xi32, #tpu.memory_space<vmem>>, vector<16xi32>,
      %add3A_404 = arith.constant 19 : i32
      %add3A_405 = arith.addi %mul3A_196, %add3A_404 : i32
      %add3A_406 = vector.broadcast %add3A_405 : i32 to vector<16xi32>
      %add3A_407 = arith.addi %mul3A_5, %add3A_406 : vector<16xi32>
      %gather3A_408 = tpu.vector_load_idx %arg32[%add3A_407] : memref<13312xi32, #tpu.memory_space<vmem>>[vector<16xi32>], vector<16xi32>,
      %mul3A_409 = arith.constant 16 : i32
      %mul3A_410 = arith.muli %scan3A_194, %mul3A_409 : i32
      %add3A_411 = arith.constant 9728 : i32
      %add3A_412 = arith.addi %add3A_411, %mul3A_410 : i32
      %swap3A_413 = arith.index_cast %add3A_412 : i32 to index
      %swap3A_414 = tpu.vector_load %arg33[%swap3A_413] {strides = array<i32>} : memref<13312xi32, #tpu.memory_space<vmem>>, vector<16xi32>,
      tpu.vector_store %arg33[%swap3A_413], %gather3A_408 {strides = array<i32>} : memref<13312xi32, #tpu.memory_space<vmem>>, vector<16xi32>,
      %add3A_415 = arith.constant 20 : i32
      %add3A_416 = arith.addi %mul3A_196, %add3A_415 : i32
      %add3A_417 = vector.broadcast %add3A_416 : i32 to vector<16xi32>
      %add3A_418 = arith.addi %mul3A_5, %add3A_417 : vector<16xi32>
      %gather3A_419 = tpu.vector_load_idx %arg32[%add3A_418] : memref<13312xi32, #tpu.memory_space<vmem>>[vector<16xi32>], vector<16xi32>,
      %mul3A_420 = arith.constant 16 : i32
      %mul3A_421 = arith.muli %scan3A_194, %mul3A_420 : i32
      %add3A_422 = arith.constant 10240 : i32
      %add3A_423 = arith.addi %add3A_422, %mul3A_421 : i32
      %swap3A_424 = arith.index_cast %add3A_423 : i32 to index
      %swap3A_425 = tpu.vector_load %arg33[%swap3A_424] {strides = array<i32>} : memref<13312xi32, #tpu.memory_space<vmem>>, vector<16xi32>,
      tpu.vector_store %arg33[%swap3A_424], %gather3A_419 {strides = array<i32>} : memref<13312xi32, #tpu.memory_space<vmem>>, vector<16xi32>,
      %add3A_426 = arith.constant 21 : i32
      %add3A_427 = arith.addi %mul3A_196, %add3A_426 : i32
      %add3A_428 = vector.broadcast %add3A_427 : i32 to vector<16xi32>
      %add3A_429 = arith.addi %mul3A_5, %add3A_428 : vector<16xi32>
      %gather3A_430 = tpu.vector_load_idx %arg32[%add3A_429] : memref<13312xi32, #tpu.memory_space<vmem>>[vector<16xi32>], vector<16xi32>,
      %mul3A_431 = arith.constant 16 : i32
      %mul3A_432 = arith.muli %scan3A_194, %mul3A_431 : i32
      %add3A_433 = arith.constant 10752 : i32
      %add3A_434 = arith.addi %add3A_433, %mul3A_432 : i32
      %swap3A_435 = arith.index_cast %add3A_434 : i32 to index
      %swap3A_436 = tpu.vector_load %arg33[%swap3A_435] {strides = array<i32>} : memref<13312xi32, #tpu.memory_space<vmem>>, vector<16xi32>,
      tpu.vector_store %arg33[%swap3A_435], %gather3A_430 {strides = array<i32>} : memref<13312xi32, #tpu.memory_space<vmem>>, vector<16xi32>,
      %add3A_437 = arith.constant 22 : i32
      %add3A_438 = arith.addi %mul3A_196, %add3A_437 : i32
      %add3A_439 = vector.broadcast %add3A_438 : i32 to vector<16xi32>
      %add3A_440 = arith.addi %mul3A_5, %add3A_439 : vector<16xi32>
      %gather3A_441 = tpu.vector_load_idx %arg32[%add3A_440] : memref<13312xi32, #tpu.memory_space<vmem>>[vector<16xi32>], vector<16xi32>,
      %mul3A_442 = arith.constant 16 : i32
      %mul3A_443 = arith.muli %scan3A_194, %mul3A_442 : i32
      %add3A_444 = arith.constant 11264 : i32
      %add3A_445 = arith.addi %add3A_444, %mul3A_443 : i32
      %swap3A_446 = arith.index_cast %add3A_445 : i32 to index
      %swap3A_447 = tpu.vector_load %arg33[%swap3A_446] {strides = array<i32>} : memref<13312xi32, #tpu.memory_space<vmem>>, vector<16xi32>,
      tpu.vector_store %arg33[%swap3A_446], %gather3A_441 {strides = array<i32>} : memref<13312xi32, #tpu.memory_space<vmem>>, vector<16xi32>,
      %add3A_448 = arith.constant 23 : i32
      %add3A_449 = arith.addi %mul3A_196, %add3A_448 : i32
      %add3A_450 = vector.broadcast %add3A_449 : i32 to vector<16xi32>
      %add3A_451 = arith.addi %mul3A_5, %add3A_450 : vector<16xi32>
      %gather3A_452 = tpu.vector_load_idx %arg32[%add3A_451] : memref<13312xi32, #tpu.memory_space<vmem>>[vector<16xi32>], vector<16xi32>,
      %mul3A_453 = arith.constant 16 : i32
      %mul3A_454 = arith.muli %scan3A_194, %mul3A_453 : i32
      %add3A_455 = arith.constant 11776 : i32
      %add3A_456 = arith.addi %add3A_455, %mul3A_454 : i32
      %swap3A_457 = arith.index_cast %add3A_456 : i32 to index
      %swap3A_458 = tpu.vector_load %arg33[%swap3A_457] {strides = array<i32>} : memref<13312xi32, #tpu.memory_space<vmem>>, vector<16xi32>,
      tpu.vector_store %arg33[%swap3A_457], %gather3A_452 {strides = array<i32>} : memref<13312xi32, #tpu.memory_space<vmem>>, vector<16xi32>,
      %add3A_459 = arith.constant 24 : i32
      %add3A_460 = arith.addi %mul3A_196, %add3A_459 : i32
      %add3A_461 = vector.broadcast %add3A_460 : i32 to vector<16xi32>
      %add3A_462 = arith.addi %mul3A_5, %add3A_461 : vector<16xi32>
      %gather3A_463 = tpu.vector_load_idx %arg32[%add3A_462] : memref<13312xi32, #tpu.memory_space<vmem>>[vector<16xi32>], vector<16xi32>,
      %mul3A_464 = arith.constant 16 : i32
      %mul3A_465 = arith.muli %scan3A_194, %mul3A_464 : i32
      %add3A_466 = arith.constant 12288 : i32
      %add3A_467 = arith.addi %add3A_466, %mul3A_465 : i32
      %swap3A_468 = arith.index_cast %add3A_467 : i32 to index
      %swap3A_469 = tpu.vector_load %arg33[%swap3A_468] {strides = array<i32>} : memref<13312xi32, #tpu.memory_space<vmem>>, vector<16xi32>,
      tpu.vector_store %arg33[%swap3A_468], %gather3A_463 {strides = array<i32>} : memref<13312xi32, #tpu.memory_space<vmem>>, vector<16xi32>,
      %add3A_470 = arith.constant 25 : i32
      %add3A_471 = arith.addi %mul3A_196, %add3A_470 : i32
      %add3A_472 = vector.broadcast %add3A_471 : i32 to vector<16xi32>
      %add3A_473 = arith.addi %mul3A_5, %add3A_472 : vector<16xi32>
      %gather3A_474 = tpu.vector_load_idx %arg32[%add3A_473] : memref<13312xi32, #tpu.memory_space<vmem>>[vector<16xi32>], vector<16xi32>,
      %mul3A_475 = arith.constant 16 : i32
      %mul3A_476 = arith.muli %scan3A_194, %mul3A_475 : i32
      %add3A_477 = arith.constant 12800 : i32
      %add3A_478 = arith.addi %add3A_477, %mul3A_476 : i32
      %swap3A_479 = arith.index_cast %add3A_478 : i32 to index
      %swap3A_480 = tpu.vector_load %arg33[%swap3A_479] {strides = array<i32>} : memref<13312xi32, #tpu.memory_space<vmem>>, vector<16xi32>,
      tpu.vector_store %arg33[%swap3A_479], %gather3A_474 {strides = array<i32>} : memref<13312xi32, #tpu.memory_space<vmem>>, vector<16xi32>,
    }
    %scan3A_13 = arith.constant 32 : i32
    %scan3A_14 = arith.constant 0 : i32
    %scan3A_15 = arith.constant 0 : i32
    %scan3A_16 = arith.constant 4 : i32
    %scan3A_17 = arith.addi %scan3A_15, %scan3A_16 : i32
    %scan3A_18 = arith.constant 1 : i32
    scf.for %scan3A_194 = %scan3A_15 to %scan3A_17 step %scan3A_18  : i32 {
      %mul3A_195 = arith.constant 128 : i32
      %mul3A_196 = arith.muli %scan3A_194, %mul3A_195 : i32
      %add3A_197 = arith.constant 0 : i32
      %add3A_198 = arith.addi %add3A_197, %mul3A_196 : i32
      %dma_start3A = tpu.memref_slice %arg34[%add3A_198] : memref<13312xf32, #tpu.memory_space<vmem>> -> memref<128xf32, #tpu.memory_space<vmem>>
      %dma_start3A_199 = tpu.memref_slice %arg33[%add3A_198] : memref<13312xi32, #tpu.memory_space<vmem>> -> memref<128xi32, #tpu.memory_space<vmem>>
      %dma_start3A_200 = arith.constant 0 : i32
      %dma_start3A_201 = tpu.memref_slice %arg2[%dma_start3A_200] : memref<1000000xf32, #tpu.memory_space<hbm>> -> memref<1000000xf32, #tpu.memory_space<hbm>>
      tpu.enqueue_indirect_dma source(%dma_start3A_201 : memref<1000000xf32, #tpu.memory_space<hbm>>) target(%dma_start3A : memref<128xf32, #tpu.memory_space<vmem>>) offsets(%dma_start3A_199 : memref<128xi32, #tpu.memory_space<vmem>>) semaphore(%arg38 : memref<!tpu.dma_semaphore, #tpu.memory_space<semaphore_mem>>)
    }
    %scan3A_19 = arith.constant 4 : i32
    %scan3A_20 = arith.constant 0 : i32
    %scan3A_21 = arith.constant 0 : i32
    %scan3A_22 = arith.constant 4 : i32
    %scan3A_23 = arith.addi %scan3A_21, %scan3A_22 : i32
    %scan3A_24 = arith.constant 1 : i32
    scf.for %scan3A_194 = %scan3A_21 to %scan3A_23 step %scan3A_24  : i32 {
      %mul3A_195 = arith.constant 128 : i32
      %mul3A_196 = arith.muli %scan3A_194, %mul3A_195 : i32
      %add3A_197 = arith.constant 512 : i32
      %add3A_198 = arith.addi %add3A_197, %mul3A_196 : i32
      %dma_start3A = tpu.memref_slice %arg34[%add3A_198] : memref<13312xf32, #tpu.memory_space<vmem>> -> memref<128xf32, #tpu.memory_space<vmem>>
      %dma_start3A_199 = tpu.memref_slice %arg33[%add3A_198] : memref<13312xi32, #tpu.memory_space<vmem>> -> memref<128xi32, #tpu.memory_space<vmem>>
      %dma_start3A_200 = arith.constant 0 : i32
      %dma_start3A_201 = tpu.memref_slice %arg3[%dma_start3A_200] : memref<1000000xf32, #tpu.memory_space<hbm>> -> memref<1000000xf32, #tpu.memory_space<hbm>>
      tpu.enqueue_indirect_dma source(%dma_start3A_201 : memref<1000000xf32, #tpu.memory_space<hbm>>) target(%dma_start3A : memref<128xf32, #tpu.memory_space<vmem>>) offsets(%dma_start3A_199 : memref<128xi32, #tpu.memory_space<vmem>>) semaphore(%arg38 : memref<!tpu.dma_semaphore, #tpu.memory_space<semaphore_mem>>)
    }
    %scan3A_25 = arith.constant 4 : i32
    %scan3A_26 = arith.constant 0 : i32
    %scan3A_27 = arith.constant 0 : i32
    %scan3A_28 = arith.constant 4 : i32
    %scan3A_29 = arith.addi %scan3A_27, %scan3A_28 : i32
    %scan3A_30 = arith.constant 1 : i32
    scf.for %scan3A_194 = %scan3A_27 to %scan3A_29 step %scan3A_30  : i32 {
      %mul3A_195 = arith.constant 128 : i32
      %mul3A_196 = arith.muli %scan3A_194, %mul3A_195 : i32
      %add3A_197 = arith.constant 1024 : i32
      %add3A_198 = arith.addi %add3A_197, %mul3A_196 : i32
      %dma_start3A = tpu.memref_slice %arg34[%add3A_198] : memref<13312xf32, #tpu.memory_space<vmem>> -> memref<128xf32, #tpu.memory_space<vmem>>
      %dma_start3A_199 = tpu.memref_slice %arg33[%add3A_198] : memref<13312xi32, #tpu.memory_space<vmem>> -> memref<128xi32, #tpu.memory_space<vmem>>
      %dma_start3A_200 = arith.constant 0 : i32
      %dma_start3A_201 = tpu.memref_slice %arg4[%dma_start3A_200] : memref<1000000xf32, #tpu.memory_space<hbm>> -> memref<1000000xf32, #tpu.memory_space<hbm>>
      tpu.enqueue_indirect_dma source(%dma_start3A_201 : memref<1000000xf32, #tpu.memory_space<hbm>>) target(%dma_start3A : memref<128xf32, #tpu.memory_space<vmem>>) offsets(%dma_start3A_199 : memref<128xi32, #tpu.memory_space<vmem>>) semaphore(%arg38 : memref<!tpu.dma_semaphore, #tpu.memory_space<semaphore_mem>>)
    }
    %scan3A_31 = arith.constant 4 : i32
    %scan3A_32 = arith.constant 0 : i32
    %scan3A_33 = arith.constant 0 : i32
    %scan3A_34 = arith.constant 4 : i32
    %scan3A_35 = arith.addi %scan3A_33, %scan3A_34 : i32
    %scan3A_36 = arith.constant 1 : i32
    scf.for %scan3A_194 = %scan3A_33 to %scan3A_35 step %scan3A_36  : i32 {
      %mul3A_195 = arith.constant 128 : i32
      %mul3A_196 = arith.muli %scan3A_194, %mul3A_195 : i32
      %add3A_197 = arith.constant 1536 : i32
      %add3A_198 = arith.addi %add3A_197, %mul3A_196 : i32
      %dma_start3A = tpu.memref_slice %arg34[%add3A_198] : memref<13312xf32, #tpu.memory_space<vmem>> -> memref<128xf32, #tpu.memory_space<vmem>>
      %dma_start3A_199 = tpu.memref_slice %arg33[%add3A_198] : memref<13312xi32, #tpu.memory_space<vmem>> -> memref<128xi32, #tpu.memory_space<vmem>>
      %dma_start3A_200 = arith.constant 0 : i32
      %dma_start3A_201 = tpu.memref_slice %arg5[%dma_start3A_200] : memref<1000000xf32, #tpu.memory_space<hbm>> -> memref<1000000xf32, #tpu.memory_space<hbm>>
      tpu.enqueue_indirect_dma source(%dma_start3A_201 : memref<1000000xf32, #tpu.memory_space<hbm>>) target(%dma_start3A : memref<128xf32, #tpu.memory_space<vmem>>) offsets(%dma_start3A_199 : memref<128xi32, #tpu.memory_space<vmem>>) semaphore(%arg38 : memref<!tpu.dma_semaphore, #tpu.memory_space<semaphore_mem>>)
    }
    %scan3A_37 = arith.constant 4 : i32
    %scan3A_38 = arith.constant 0 : i32
    %scan3A_39 = arith.constant 0 : i32
    %scan3A_40 = arith.constant 4 : i32
    %scan3A_41 = arith.addi %scan3A_39, %scan3A_40 : i32
    %scan3A_42 = arith.constant 1 : i32
    scf.for %scan3A_194 = %scan3A_39 to %scan3A_41 step %scan3A_42  : i32 {
      %mul3A_195 = arith.constant 128 : i32
      %mul3A_196 = arith.muli %scan3A_194, %mul3A_195 : i32
      %add3A_197 = arith.constant 2048 : i32
      %add3A_198 = arith.addi %add3A_197, %mul3A_196 : i32
      %dma_start3A = tpu.memref_slice %arg34[%add3A_198] : memref<13312xf32, #tpu.memory_space<vmem>> -> memref<128xf32, #tpu.memory_space<vmem>>
      %dma_start3A_199 = tpu.memref_slice %arg33[%add3A_198] : memref<13312xi32, #tpu.memory_space<vmem>> -> memref<128xi32, #tpu.memory_space<vmem>>
      %dma_start3A_200 = arith.constant 0 : i32
      %dma_start3A_201 = tpu.memref_slice %arg6[%dma_start3A_200] : memref<1000000xf32, #tpu.memory_space<hbm>> -> memref<1000000xf32, #tpu.memory_space<hbm>>
      tpu.enqueue_indirect_dma source(%dma_start3A_201 : memref<1000000xf32, #tpu.memory_space<hbm>>) target(%dma_start3A : memref<128xf32, #tpu.memory_space<vmem>>) offsets(%dma_start3A_199 : memref<128xi32, #tpu.memory_space<vmem>>) semaphore(%arg38 : memref<!tpu.dma_semaphore, #tpu.memory_space<semaphore_mem>>)
    }
    %scan3A_43 = arith.constant 4 : i32
    %scan3A_44 = arith.constant 0 : i32
    %scan3A_45 = arith.constant 0 : i32
    %scan3A_46 = arith.constant 4 : i32
    %scan3A_47 = arith.addi %scan3A_45, %scan3A_46 : i32
    %scan3A_48 = arith.constant 1 : i32
    scf.for %scan3A_194 = %scan3A_45 to %scan3A_47 step %scan3A_48  : i32 {
      %mul3A_195 = arith.constant 128 : i32
      %mul3A_196 = arith.muli %scan3A_194, %mul3A_195 : i32
      %add3A_197 = arith.constant 2560 : i32
      %add3A_198 = arith.addi %add3A_197, %mul3A_196 : i32
      %dma_start3A = tpu.memref_slice %arg34[%add3A_198] : memref<13312xf32, #tpu.memory_space<vmem>> -> memref<128xf32, #tpu.memory_space<vmem>>
      %dma_start3A_199 = tpu.memref_slice %arg33[%add3A_198] : memref<13312xi32, #tpu.memory_space<vmem>> -> memref<128xi32, #tpu.memory_space<vmem>>
      %dma_start3A_200 = arith.constant 0 : i32
      %dma_start3A_201 = tpu.memref_slice %arg7[%dma_start3A_200] : memref<1000000xf32, #tpu.memory_space<hbm>> -> memref<1000000xf32, #tpu.memory_space<hbm>>
      tpu.enqueue_indirect_dma source(%dma_start3A_201 : memref<1000000xf32, #tpu.memory_space<hbm>>) target(%dma_start3A : memref<128xf32, #tpu.memory_space<vmem>>) offsets(%dma_start3A_199 : memref<128xi32, #tpu.memory_space<vmem>>) semaphore(%arg38 : memref<!tpu.dma_semaphore, #tpu.memory_space<semaphore_mem>>)
    }
    %scan3A_49 = arith.constant 4 : i32
    %scan3A_50 = arith.constant 0 : i32
    %scan3A_51 = arith.constant 0 : i32
    %scan3A_52 = arith.constant 4 : i32
    %scan3A_53 = arith.addi %scan3A_51, %scan3A_52 : i32
    %scan3A_54 = arith.constant 1 : i32
    scf.for %scan3A_194 = %scan3A_51 to %scan3A_53 step %scan3A_54  : i32 {
      %mul3A_195 = arith.constant 128 : i32
      %mul3A_196 = arith.muli %scan3A_194, %mul3A_195 : i32
      %add3A_197 = arith.constant 3072 : i32
      %add3A_198 = arith.addi %add3A_197, %mul3A_196 : i32
      %dma_start3A = tpu.memref_slice %arg34[%add3A_198] : memref<13312xf32, #tpu.memory_space<vmem>> -> memref<128xf32, #tpu.memory_space<vmem>>
      %dma_start3A_199 = tpu.memref_slice %arg33[%add3A_198] : memref<13312xi32, #tpu.memory_space<vmem>> -> memref<128xi32, #tpu.memory_space<vmem>>
      %dma_start3A_200 = arith.constant 0 : i32
      %dma_start3A_201 = tpu.memref_slice %arg8[%dma_start3A_200] : memref<1000000xf32, #tpu.memory_space<hbm>> -> memref<1000000xf32, #tpu.memory_space<hbm>>
      tpu.enqueue_indirect_dma source(%dma_start3A_201 : memref<1000000xf32, #tpu.memory_space<hbm>>) target(%dma_start3A : memref<128xf32, #tpu.memory_space<vmem>>) offsets(%dma_start3A_199 : memref<128xi32, #tpu.memory_space<vmem>>) semaphore(%arg38 : memref<!tpu.dma_semaphore, #tpu.memory_space<semaphore_mem>>)
    }
    %scan3A_55 = arith.constant 4 : i32
    %scan3A_56 = arith.constant 0 : i32
    %scan3A_57 = arith.constant 0 : i32
    %scan3A_58 = arith.constant 4 : i32
    %scan3A_59 = arith.addi %scan3A_57, %scan3A_58 : i32
    %scan3A_60 = arith.constant 1 : i32
    scf.for %scan3A_194 = %scan3A_57 to %scan3A_59 step %scan3A_60  : i32 {
      %mul3A_195 = arith.constant 128 : i32
      %mul3A_196 = arith.muli %scan3A_194, %mul3A_195 : i32
      %add3A_197 = arith.constant 3584 : i32
      %add3A_198 = arith.addi %add3A_197, %mul3A_196 : i32
      %dma_start3A = tpu.memref_slice %arg34[%add3A_198] : memref<13312xf32, #tpu.memory_space<vmem>> -> memref<128xf32, #tpu.memory_space<vmem>>
      %dma_start3A_199 = tpu.memref_slice %arg33[%add3A_198] : memref<13312xi32, #tpu.memory_space<vmem>> -> memref<128xi32, #tpu.memory_space<vmem>>
      %dma_start3A_200 = arith.constant 0 : i32
      %dma_start3A_201 = tpu.memref_slice %arg9[%dma_start3A_200] : memref<1000000xf32, #tpu.memory_space<hbm>> -> memref<1000000xf32, #tpu.memory_space<hbm>>
      tpu.enqueue_indirect_dma source(%dma_start3A_201 : memref<1000000xf32, #tpu.memory_space<hbm>>) target(%dma_start3A : memref<128xf32, #tpu.memory_space<vmem>>) offsets(%dma_start3A_199 : memref<128xi32, #tpu.memory_space<vmem>>) semaphore(%arg38 : memref<!tpu.dma_semaphore, #tpu.memory_space<semaphore_mem>>)
    }
    %scan3A_61 = arith.constant 4 : i32
    %scan3A_62 = arith.constant 0 : i32
    %scan3A_63 = arith.constant 0 : i32
    %scan3A_64 = arith.constant 4 : i32
    %scan3A_65 = arith.addi %scan3A_63, %scan3A_64 : i32
    %scan3A_66 = arith.constant 1 : i32
    scf.for %scan3A_194 = %scan3A_63 to %scan3A_65 step %scan3A_66  : i32 {
      %mul3A_195 = arith.constant 128 : i32
      %mul3A_196 = arith.muli %scan3A_194, %mul3A_195 : i32
      %add3A_197 = arith.constant 4096 : i32
      %add3A_198 = arith.addi %add3A_197, %mul3A_196 : i32
      %dma_start3A = tpu.memref_slice %arg34[%add3A_198] : memref<13312xf32, #tpu.memory_space<vmem>> -> memref<128xf32, #tpu.memory_space<vmem>>
      %dma_start3A_199 = tpu.memref_slice %arg33[%add3A_198] : memref<13312xi32, #tpu.memory_space<vmem>> -> memref<128xi32, #tpu.memory_space<vmem>>
      %dma_start3A_200 = arith.constant 0 : i32
      %dma_start3A_201 = tpu.memref_slice %arg10[%dma_start3A_200] : memref<1000000xf32, #tpu.memory_space<hbm>> -> memref<1000000xf32, #tpu.memory_space<hbm>>
      tpu.enqueue_indirect_dma source(%dma_start3A_201 : memref<1000000xf32, #tpu.memory_space<hbm>>) target(%dma_start3A : memref<128xf32, #tpu.memory_space<vmem>>) offsets(%dma_start3A_199 : memref<128xi32, #tpu.memory_space<vmem>>) semaphore(%arg38 : memref<!tpu.dma_semaphore, #tpu.memory_space<semaphore_mem>>)
    }
    %scan3A_67 = arith.constant 4 : i32
    %scan3A_68 = arith.constant 0 : i32
    %scan3A_69 = arith.constant 0 : i32
    %scan3A_70 = arith.constant 4 : i32
    %scan3A_71 = arith.addi %scan3A_69, %scan3A_70 : i32
    %scan3A_72 = arith.constant 1 : i32
    scf.for %scan3A_194 = %scan3A_69 to %scan3A_71 step %scan3A_72  : i32 {
      %mul3A_195 = arith.constant 128 : i32
      %mul3A_196 = arith.muli %scan3A_194, %mul3A_195 : i32
      %add3A_197 = arith.constant 4608 : i32
      %add3A_198 = arith.addi %add3A_197, %mul3A_196 : i32
      %dma_start3A = tpu.memref_slice %arg34[%add3A_198] : memref<13312xf32, #tpu.memory_space<vmem>> -> memref<128xf32, #tpu.memory_space<vmem>>
      %dma_start3A_199 = tpu.memref_slice %arg33[%add3A_198] : memref<13312xi32, #tpu.memory_space<vmem>> -> memref<128xi32, #tpu.memory_space<vmem>>
      %dma_start3A_200 = arith.constant 0 : i32
      %dma_start3A_201 = tpu.memref_slice %arg11[%dma_start3A_200] : memref<1000000xf32, #tpu.memory_space<hbm>> -> memref<1000000xf32, #tpu.memory_space<hbm>>
      tpu.enqueue_indirect_dma source(%dma_start3A_201 : memref<1000000xf32, #tpu.memory_space<hbm>>) target(%dma_start3A : memref<128xf32, #tpu.memory_space<vmem>>) offsets(%dma_start3A_199 : memref<128xi32, #tpu.memory_space<vmem>>) semaphore(%arg38 : memref<!tpu.dma_semaphore, #tpu.memory_space<semaphore_mem>>)
    }
    %scan3A_73 = arith.constant 4 : i32
    %scan3A_74 = arith.constant 0 : i32
    %scan3A_75 = arith.constant 0 : i32
    %scan3A_76 = arith.constant 4 : i32
    %scan3A_77 = arith.addi %scan3A_75, %scan3A_76 : i32
    %scan3A_78 = arith.constant 1 : i32
    scf.for %scan3A_194 = %scan3A_75 to %scan3A_77 step %scan3A_78  : i32 {
      %mul3A_195 = arith.constant 128 : i32
      %mul3A_196 = arith.muli %scan3A_194, %mul3A_195 : i32
      %add3A_197 = arith.constant 5120 : i32
      %add3A_198 = arith.addi %add3A_197, %mul3A_196 : i32
      %dma_start3A = tpu.memref_slice %arg34[%add3A_198] : memref<13312xf32, #tpu.memory_space<vmem>> -> memref<128xf32, #tpu.memory_space<vmem>>
      %dma_start3A_199 = tpu.memref_slice %arg33[%add3A_198] : memref<13312xi32, #tpu.memory_space<vmem>> -> memref<128xi32, #tpu.memory_space<vmem>>
      %dma_start3A_200 = arith.constant 0 : i32
      %dma_start3A_201 = tpu.memref_slice %arg12[%dma_start3A_200] : memref<1000000xf32, #tpu.memory_space<hbm>> -> memref<1000000xf32, #tpu.memory_space<hbm>>
      tpu.enqueue_indirect_dma source(%dma_start3A_201 : memref<1000000xf32, #tpu.memory_space<hbm>>) target(%dma_start3A : memref<128xf32, #tpu.memory_space<vmem>>) offsets(%dma_start3A_199 : memref<128xi32, #tpu.memory_space<vmem>>) semaphore(%arg38 : memref<!tpu.dma_semaphore, #tpu.memory_space<semaphore_mem>>)
    }
    %scan3A_79 = arith.constant 4 : i32
    %scan3A_80 = arith.constant 0 : i32
    %scan3A_81 = arith.constant 0 : i32
    %scan3A_82 = arith.constant 4 : i32
    %scan3A_83 = arith.addi %scan3A_81, %scan3A_82 : i32
    %scan3A_84 = arith.constant 1 : i32
    scf.for %scan3A_194 = %scan3A_81 to %scan3A_83 step %scan3A_84  : i32 {
      %mul3A_195 = arith.constant 128 : i32
      %mul3A_196 = arith.muli %scan3A_194, %mul3A_195 : i32
      %add3A_197 = arith.constant 5632 : i32
      %add3A_198 = arith.addi %add3A_197, %mul3A_196 : i32
      %dma_start3A = tpu.memref_slice %arg34[%add3A_198] : memref<13312xf32, #tpu.memory_space<vmem>> -> memref<128xf32, #tpu.memory_space<vmem>>
      %dma_start3A_199 = tpu.memref_slice %arg33[%add3A_198] : memref<13312xi32, #tpu.memory_space<vmem>> -> memref<128xi32, #tpu.memory_space<vmem>>
      %dma_start3A_200 = arith.constant 0 : i32
      %dma_start3A_201 = tpu.memref_slice %arg13[%dma_start3A_200] : memref<1000000xf32, #tpu.memory_space<hbm>> -> memref<1000000xf32, #tpu.memory_space<hbm>>
      tpu.enqueue_indirect_dma source(%dma_start3A_201 : memref<1000000xf32, #tpu.memory_space<hbm>>) target(%dma_start3A : memref<128xf32, #tpu.memory_space<vmem>>) offsets(%dma_start3A_199 : memref<128xi32, #tpu.memory_space<vmem>>) semaphore(%arg38 : memref<!tpu.dma_semaphore, #tpu.memory_space<semaphore_mem>>)
    }
    %scan3A_85 = arith.constant 4 : i32
    %scan3A_86 = arith.constant 0 : i32
    %scan3A_87 = arith.constant 0 : i32
    %scan3A_88 = arith.constant 4 : i32
    %scan3A_89 = arith.addi %scan3A_87, %scan3A_88 : i32
    %scan3A_90 = arith.constant 1 : i32
    scf.for %scan3A_194 = %scan3A_87 to %scan3A_89 step %scan3A_90  : i32 {
      %mul3A_195 = arith.constant 128 : i32
      %mul3A_196 = arith.muli %scan3A_194, %mul3A_195 : i32
      %add3A_197 = arith.constant 6144 : i32
      %add3A_198 = arith.addi %add3A_197, %mul3A_196 : i32
      %dma_start3A = tpu.memref_slice %arg34[%add3A_198] : memref<13312xf32, #tpu.memory_space<vmem>> -> memref<128xf32, #tpu.memory_space<vmem>>
      %dma_start3A_199 = tpu.memref_slice %arg33[%add3A_198] : memref<13312xi32, #tpu.memory_space<vmem>> -> memref<128xi32, #tpu.memory_space<vmem>>
      %dma_start3A_200 = arith.constant 0 : i32
      %dma_start3A_201 = tpu.memref_slice %arg14[%dma_start3A_200] : memref<1000000xf32, #tpu.memory_space<hbm>> -> memref<1000000xf32, #tpu.memory_space<hbm>>
      tpu.enqueue_indirect_dma source(%dma_start3A_201 : memref<1000000xf32, #tpu.memory_space<hbm>>) target(%dma_start3A : memref<128xf32, #tpu.memory_space<vmem>>) offsets(%dma_start3A_199 : memref<128xi32, #tpu.memory_space<vmem>>) semaphore(%arg38 : memref<!tpu.dma_semaphore, #tpu.memory_space<semaphore_mem>>)
    }
    %scan3A_91 = arith.constant 4 : i32
    %scan3A_92 = arith.constant 0 : i32
    %scan3A_93 = arith.constant 0 : i32
    %scan3A_94 = arith.constant 4 : i32
    %scan3A_95 = arith.addi %scan3A_93, %scan3A_94 : i32
    %scan3A_96 = arith.constant 1 : i32
    scf.for %scan3A_194 = %scan3A_93 to %scan3A_95 step %scan3A_96  : i32 {
      %mul3A_195 = arith.constant 128 : i32
      %mul3A_196 = arith.muli %scan3A_194, %mul3A_195 : i32
      %add3A_197 = arith.constant 6656 : i32
      %add3A_198 = arith.addi %add3A_197, %mul3A_196 : i32
      %dma_start3A = tpu.memref_slice %arg34[%add3A_198] : memref<13312xf32, #tpu.memory_space<vmem>> -> memref<128xf32, #tpu.memory_space<vmem>>
      %dma_start3A_199 = tpu.memref_slice %arg33[%add3A_198] : memref<13312xi32, #tpu.memory_space<vmem>> -> memref<128xi32, #tpu.memory_space<vmem>>
      %dma_start3A_200 = arith.constant 0 : i32
      %dma_start3A_201 = tpu.memref_slice %arg15[%dma_start3A_200] : memref<1000000xf32, #tpu.memory_space<hbm>> -> memref<1000000xf32, #tpu.memory_space<hbm>>
      tpu.enqueue_indirect_dma source(%dma_start3A_201 : memref<1000000xf32, #tpu.memory_space<hbm>>) target(%dma_start3A : memref<128xf32, #tpu.memory_space<vmem>>) offsets(%dma_start3A_199 : memref<128xi32, #tpu.memory_space<vmem>>) semaphore(%arg38 : memref<!tpu.dma_semaphore, #tpu.memory_space<semaphore_mem>>)
    }
    %scan3A_97 = arith.constant 4 : i32
    %scan3A_98 = arith.constant 0 : i32
    %scan3A_99 = arith.constant 0 : i32
    %scan3A_100 = arith.constant 4 : i32
    %scan3A_101 = arith.addi %scan3A_99, %scan3A_100 : i32
    %scan3A_102 = arith.constant 1 : i32
    scf.for %scan3A_194 = %scan3A_99 to %scan3A_101 step %scan3A_102  : i32 {
      %mul3A_195 = arith.constant 128 : i32
      %mul3A_196 = arith.muli %scan3A_194, %mul3A_195 : i32
      %add3A_197 = arith.constant 7168 : i32
      %add3A_198 = arith.addi %add3A_197, %mul3A_196 : i32
      %dma_start3A = tpu.memref_slice %arg34[%add3A_198] : memref<13312xf32, #tpu.memory_space<vmem>> -> memref<128xf32, #tpu.memory_space<vmem>>
      %dma_start3A_199 = tpu.memref_slice %arg33[%add3A_198] : memref<13312xi32, #tpu.memory_space<vmem>> -> memref<128xi32, #tpu.memory_space<vmem>>
      %dma_start3A_200 = arith.constant 0 : i32
      %dma_start3A_201 = tpu.memref_slice %arg16[%dma_start3A_200] : memref<1000000xf32, #tpu.memory_space<hbm>> -> memref<1000000xf32, #tpu.memory_space<hbm>>
      tpu.enqueue_indirect_dma source(%dma_start3A_201 : memref<1000000xf32, #tpu.memory_space<hbm>>) target(%dma_start3A : memref<128xf32, #tpu.memory_space<vmem>>) offsets(%dma_start3A_199 : memref<128xi32, #tpu.memory_space<vmem>>) semaphore(%arg38 : memref<!tpu.dma_semaphore, #tpu.memory_space<semaphore_mem>>)
    }
    %scan3A_103 = arith.constant 4 : i32
    %scan3A_104 = arith.constant 0 : i32
    %scan3A_105 = arith.constant 0 : i32
    %scan3A_106 = arith.constant 4 : i32
    %scan3A_107 = arith.addi %scan3A_105, %scan3A_106 : i32
    %scan3A_108 = arith.constant 1 : i32
    scf.for %scan3A_194 = %scan3A_105 to %scan3A_107 step %scan3A_108  : i32 {
      %mul3A_195 = arith.constant 128 : i32
      %mul3A_196 = arith.muli %scan3A_194, %mul3A_195 : i32
      %add3A_197 = arith.constant 7680 : i32
      %add3A_198 = arith.addi %add3A_197, %mul3A_196 : i32
      %dma_start3A = tpu.memref_slice %arg34[%add3A_198] : memref<13312xf32, #tpu.memory_space<vmem>> -> memref<128xf32, #tpu.memory_space<vmem>>
      %dma_start3A_199 = tpu.memref_slice %arg33[%add3A_198] : memref<13312xi32, #tpu.memory_space<vmem>> -> memref<128xi32, #tpu.memory_space<vmem>>
      %dma_start3A_200 = arith.constant 0 : i32
      %dma_start3A_201 = tpu.memref_slice %arg17[%dma_start3A_200] : memref<1000000xf32, #tpu.memory_space<hbm>> -> memref<1000000xf32, #tpu.memory_space<hbm>>
      tpu.enqueue_indirect_dma source(%dma_start3A_201 : memref<1000000xf32, #tpu.memory_space<hbm>>) target(%dma_start3A : memref<128xf32, #tpu.memory_space<vmem>>) offsets(%dma_start3A_199 : memref<128xi32, #tpu.memory_space<vmem>>) semaphore(%arg38 : memref<!tpu.dma_semaphore, #tpu.memory_space<semaphore_mem>>)
    }
    %scan3A_109 = arith.constant 4 : i32
    %scan3A_110 = arith.constant 0 : i32
    %scan3A_111 = arith.constant 0 : i32
    %scan3A_112 = arith.constant 4 : i32
    %scan3A_113 = arith.addi %scan3A_111, %scan3A_112 : i32
    %scan3A_114 = arith.constant 1 : i32
    scf.for %scan3A_194 = %scan3A_111 to %scan3A_113 step %scan3A_114  : i32 {
      %mul3A_195 = arith.constant 128 : i32
      %mul3A_196 = arith.muli %scan3A_194, %mul3A_195 : i32
      %add3A_197 = arith.constant 8192 : i32
      %add3A_198 = arith.addi %add3A_197, %mul3A_196 : i32
      %dma_start3A = tpu.memref_slice %arg34[%add3A_198] : memref<13312xf32, #tpu.memory_space<vmem>> -> memref<128xf32, #tpu.memory_space<vmem>>
      %dma_start3A_199 = tpu.memref_slice %arg33[%add3A_198] : memref<13312xi32, #tpu.memory_space<vmem>> -> memref<128xi32, #tpu.memory_space<vmem>>
      %dma_start3A_200 = arith.constant 0 : i32
      %dma_start3A_201 = tpu.memref_slice %arg18[%dma_start3A_200] : memref<1000000xf32, #tpu.memory_space<hbm>> -> memref<1000000xf32, #tpu.memory_space<hbm>>
      tpu.enqueue_indirect_dma source(%dma_start3A_201 : memref<1000000xf32, #tpu.memory_space<hbm>>) target(%dma_start3A : memref<128xf32, #tpu.memory_space<vmem>>) offsets(%dma_start3A_199 : memref<128xi32, #tpu.memory_space<vmem>>) semaphore(%arg38 : memref<!tpu.dma_semaphore, #tpu.memory_space<semaphore_mem>>)
    }
    %scan3A_115 = arith.constant 4 : i32
    %scan3A_116 = arith.constant 0 : i32
    %scan3A_117 = arith.constant 0 : i32
    %scan3A_118 = arith.constant 4 : i32
    %scan3A_119 = arith.addi %scan3A_117, %scan3A_118 : i32
    %scan3A_120 = arith.constant 1 : i32
    scf.for %scan3A_194 = %scan3A_117 to %scan3A_119 step %scan3A_120  : i32 {
      %mul3A_195 = arith.constant 128 : i32
      %mul3A_196 = arith.muli %scan3A_194, %mul3A_195 : i32
      %add3A_197 = arith.constant 8704 : i32
      %add3A_198 = arith.addi %add3A_197, %mul3A_196 : i32
      %dma_start3A = tpu.memref_slice %arg34[%add3A_198] : memref<13312xf32, #tpu.memory_space<vmem>> -> memref<128xf32, #tpu.memory_space<vmem>>
      %dma_start3A_199 = tpu.memref_slice %arg33[%add3A_198] : memref<13312xi32, #tpu.memory_space<vmem>> -> memref<128xi32, #tpu.memory_space<vmem>>
      %dma_start3A_200 = arith.constant 0 : i32
      %dma_start3A_201 = tpu.memref_slice %arg19[%dma_start3A_200] : memref<1000000xf32, #tpu.memory_space<hbm>> -> memref<1000000xf32, #tpu.memory_space<hbm>>
      tpu.enqueue_indirect_dma source(%dma_start3A_201 : memref<1000000xf32, #tpu.memory_space<hbm>>) target(%dma_start3A : memref<128xf32, #tpu.memory_space<vmem>>) offsets(%dma_start3A_199 : memref<128xi32, #tpu.memory_space<vmem>>) semaphore(%arg38 : memref<!tpu.dma_semaphore, #tpu.memory_space<semaphore_mem>>)
    }
    %scan3A_121 = arith.constant 4 : i32
    %scan3A_122 = arith.constant 0 : i32
    %scan3A_123 = arith.constant 0 : i32
    %scan3A_124 = arith.constant 4 : i32
    %scan3A_125 = arith.addi %scan3A_123, %scan3A_124 : i32
    %scan3A_126 = arith.constant 1 : i32
    scf.for %scan3A_194 = %scan3A_123 to %scan3A_125 step %scan3A_126  : i32 {
      %mul3A_195 = arith.constant 128 : i32
      %mul3A_196 = arith.muli %scan3A_194, %mul3A_195 : i32
      %add3A_197 = arith.constant 9216 : i32
      %add3A_198 = arith.addi %add3A_197, %mul3A_196 : i32
      %dma_start3A = tpu.memref_slice %arg34[%add3A_198] : memref<13312xf32, #tpu.memory_space<vmem>> -> memref<128xf32, #tpu.memory_space<vmem>>
      %dma_start3A_199 = tpu.memref_slice %arg33[%add3A_198] : memref<13312xi32, #tpu.memory_space<vmem>> -> memref<128xi32, #tpu.memory_space<vmem>>
      %dma_start3A_200 = arith.constant 0 : i32
      %dma_start3A_201 = tpu.memref_slice %arg20[%dma_start3A_200] : memref<1000000xf32, #tpu.memory_space<hbm>> -> memref<1000000xf32, #tpu.memory_space<hbm>>
      tpu.enqueue_indirect_dma source(%dma_start3A_201 : memref<1000000xf32, #tpu.memory_space<hbm>>) target(%dma_start3A : memref<128xf32, #tpu.memory_space<vmem>>) offsets(%dma_start3A_199 : memref<128xi32, #tpu.memory_space<vmem>>) semaphore(%arg38 : memref<!tpu.dma_semaphore, #tpu.memory_space<semaphore_mem>>)
    }
    %scan3A_127 = arith.constant 4 : i32
    %scan3A_128 = arith.constant 0 : i32
    %scan3A_129 = arith.constant 0 : i32
    %scan3A_130 = arith.constant 4 : i32
    %scan3A_131 = arith.addi %scan3A_129, %scan3A_130 : i32
    %scan3A_132 = arith.constant 1 : i32
    scf.for %scan3A_194 = %scan3A_129 to %scan3A_131 step %scan3A_132  : i32 {
      %mul3A_195 = arith.constant 128 : i32
      %mul3A_196 = arith.muli %scan3A_194, %mul3A_195 : i32
      %add3A_197 = arith.constant 9728 : i32
      %add3A_198 = arith.addi %add3A_197, %mul3A_196 : i32
      %dma_start3A = tpu.memref_slice %arg34[%add3A_198] : memref<13312xf32, #tpu.memory_space<vmem>> -> memref<128xf32, #tpu.memory_space<vmem>>
      %dma_start3A_199 = tpu.memref_slice %arg33[%add3A_198] : memref<13312xi32, #tpu.memory_space<vmem>> -> memref<128xi32, #tpu.memory_space<vmem>>
      %dma_start3A_200 = arith.constant 0 : i32
      %dma_start3A_201 = tpu.memref_slice %arg21[%dma_start3A_200] : memref<1000000xf32, #tpu.memory_space<hbm>> -> memref<1000000xf32, #tpu.memory_space<hbm>>
      tpu.enqueue_indirect_dma source(%dma_start3A_201 : memref<1000000xf32, #tpu.memory_space<hbm>>) target(%dma_start3A : memref<128xf32, #tpu.memory_space<vmem>>) offsets(%dma_start3A_199 : memref<128xi32, #tpu.memory_space<vmem>>) semaphore(%arg38 : memref<!tpu.dma_semaphore, #tpu.memory_space<semaphore_mem>>)
    }
    %scan3A_133 = arith.constant 4 : i32
    %scan3A_134 = arith.constant 0 : i32
    %scan3A_135 = arith.constant 0 : i32
    %scan3A_136 = arith.constant 4 : i32
    %scan3A_137 = arith.addi %scan3A_135, %scan3A_136 : i32
    %scan3A_138 = arith.constant 1 : i32
    scf.for %scan3A_194 = %scan3A_135 to %scan3A_137 step %scan3A_138  : i32 {
      %mul3A_195 = arith.constant 128 : i32
      %mul3A_196 = arith.muli %scan3A_194, %mul3A_195 : i32
      %add3A_197 = arith.constant 10240 : i32
      %add3A_198 = arith.addi %add3A_197, %mul3A_196 : i32
      %dma_start3A = tpu.memref_slice %arg34[%add3A_198] : memref<13312xf32, #tpu.memory_space<vmem>> -> memref<128xf32, #tpu.memory_space<vmem>>
      %dma_start3A_199 = tpu.memref_slice %arg33[%add3A_198] : memref<13312xi32, #tpu.memory_space<vmem>> -> memref<128xi32, #tpu.memory_space<vmem>>
      %dma_start3A_200 = arith.constant 0 : i32
      %dma_start3A_201 = tpu.memref_slice %arg22[%dma_start3A_200] : memref<1000000xf32, #tpu.memory_space<hbm>> -> memref<1000000xf32, #tpu.memory_space<hbm>>
      tpu.enqueue_indirect_dma source(%dma_start3A_201 : memref<1000000xf32, #tpu.memory_space<hbm>>) target(%dma_start3A : memref<128xf32, #tpu.memory_space<vmem>>) offsets(%dma_start3A_199 : memref<128xi32, #tpu.memory_space<vmem>>) semaphore(%arg38 : memref<!tpu.dma_semaphore, #tpu.memory_space<semaphore_mem>>)
    }
    %scan3A_139 = arith.constant 4 : i32
    %scan3A_140 = arith.constant 0 : i32
    %scan3A_141 = arith.constant 0 : i32
    %scan3A_142 = arith.constant 4 : i32
    %scan3A_143 = arith.addi %scan3A_141, %scan3A_142 : i32
    %scan3A_144 = arith.constant 1 : i32
    scf.for %scan3A_194 = %scan3A_141 to %scan3A_143 step %scan3A_144  : i32 {
      %mul3A_195 = arith.constant 128 : i32
      %mul3A_196 = arith.muli %scan3A_194, %mul3A_195 : i32
      %add3A_197 = arith.constant 10752 : i32
      %add3A_198 = arith.addi %add3A_197, %mul3A_196 : i32
      %dma_start3A = tpu.memref_slice %arg34[%add3A_198] : memref<13312xf32, #tpu.memory_space<vmem>> -> memref<128xf32, #tpu.memory_space<vmem>>
      %dma_start3A_199 = tpu.memref_slice %arg33[%add3A_198] : memref<13312xi32, #tpu.memory_space<vmem>> -> memref<128xi32, #tpu.memory_space<vmem>>
      %dma_start3A_200 = arith.constant 0 : i32
      %dma_start3A_201 = tpu.memref_slice %arg23[%dma_start3A_200] : memref<1000000xf32, #tpu.memory_space<hbm>> -> memref<1000000xf32, #tpu.memory_space<hbm>>
      tpu.enqueue_indirect_dma source(%dma_start3A_201 : memref<1000000xf32, #tpu.memory_space<hbm>>) target(%dma_start3A : memref<128xf32, #tpu.memory_space<vmem>>) offsets(%dma_start3A_199 : memref<128xi32, #tpu.memory_space<vmem>>) semaphore(%arg38 : memref<!tpu.dma_semaphore, #tpu.memory_space<semaphore_mem>>)
    }
    %scan3A_145 = arith.constant 4 : i32
    %scan3A_146 = arith.constant 0 : i32
    %scan3A_147 = arith.constant 0 : i32
    %scan3A_148 = arith.constant 4 : i32
    %scan3A_149 = arith.addi %scan3A_147, %scan3A_148 : i32
    %scan3A_150 = arith.constant 1 : i32
    scf.for %scan3A_194 = %scan3A_147 to %scan3A_149 step %scan3A_150  : i32 {
      %mul3A_195 = arith.constant 128 : i32
      %mul3A_196 = arith.muli %scan3A_194, %mul3A_195 : i32
      %add3A_197 = arith.constant 11264 : i32
      %add3A_198 = arith.addi %add3A_197, %mul3A_196 : i32
      %dma_start3A = tpu.memref_slice %arg34[%add3A_198] : memref<13312xf32, #tpu.memory_space<vmem>> -> memref<128xf32, #tpu.memory_space<vmem>>
      %dma_start3A_199 = tpu.memref_slice %arg33[%add3A_198] : memref<13312xi32, #tpu.memory_space<vmem>> -> memref<128xi32, #tpu.memory_space<vmem>>
      %dma_start3A_200 = arith.constant 0 : i32
      %dma_start3A_201 = tpu.memref_slice %arg24[%dma_start3A_200] : memref<1000000xf32, #tpu.memory_space<hbm>> -> memref<1000000xf32, #tpu.memory_space<hbm>>
      tpu.enqueue_indirect_dma source(%dma_start3A_201 : memref<1000000xf32, #tpu.memory_space<hbm>>) target(%dma_start3A : memref<128xf32, #tpu.memory_space<vmem>>) offsets(%dma_start3A_199 : memref<128xi32, #tpu.memory_space<vmem>>) semaphore(%arg38 : memref<!tpu.dma_semaphore, #tpu.memory_space<semaphore_mem>>)
    }
    %scan3A_151 = arith.constant 4 : i32
    %scan3A_152 = arith.constant 0 : i32
    %scan3A_153 = arith.constant 0 : i32
    %scan3A_154 = arith.constant 4 : i32
    %scan3A_155 = arith.addi %scan3A_153, %scan3A_154 : i32
    %scan3A_156 = arith.constant 1 : i32
    scf.for %scan3A_194 = %scan3A_153 to %scan3A_155 step %scan3A_156  : i32 {
      %mul3A_195 = arith.constant 128 : i32
      %mul3A_196 = arith.muli %scan3A_194, %mul3A_195 : i32
      %add3A_197 = arith.constant 11776 : i32
      %add3A_198 = arith.addi %add3A_197, %mul3A_196 : i32
      %dma_start3A = tpu.memref_slice %arg34[%add3A_198] : memref<13312xf32, #tpu.memory_space<vmem>> -> memref<128xf32, #tpu.memory_space<vmem>>
      %dma_start3A_199 = tpu.memref_slice %arg33[%add3A_198] : memref<13312xi32, #tpu.memory_space<vmem>> -> memref<128xi32, #tpu.memory_space<vmem>>
      %dma_start3A_200 = arith.constant 0 : i32
      %dma_start3A_201 = tpu.memref_slice %arg25[%dma_start3A_200] : memref<1000000xf32, #tpu.memory_space<hbm>> -> memref<1000000xf32, #tpu.memory_space<hbm>>
      tpu.enqueue_indirect_dma source(%dma_start3A_201 : memref<1000000xf32, #tpu.memory_space<hbm>>) target(%dma_start3A : memref<128xf32, #tpu.memory_space<vmem>>) offsets(%dma_start3A_199 : memref<128xi32, #tpu.memory_space<vmem>>) semaphore(%arg38 : memref<!tpu.dma_semaphore, #tpu.memory_space<semaphore_mem>>)
    }
    %scan3A_157 = arith.constant 4 : i32
    %scan3A_158 = arith.constant 0 : i32
    %scan3A_159 = arith.constant 0 : i32
    %scan3A_160 = arith.constant 4 : i32
    %scan3A_161 = arith.addi %scan3A_159, %scan3A_160 : i32
    %scan3A_162 = arith.constant 1 : i32
    scf.for %scan3A_194 = %scan3A_159 to %scan3A_161 step %scan3A_162  : i32 {
      %mul3A_195 = arith.constant 128 : i32
      %mul3A_196 = arith.muli %scan3A_194, %mul3A_195 : i32
      %add3A_197 = arith.constant 12288 : i32
      %add3A_198 = arith.addi %add3A_197, %mul3A_196 : i32
      %dma_start3A = tpu.memref_slice %arg34[%add3A_198] : memref<13312xf32, #tpu.memory_space<vmem>> -> memref<128xf32, #tpu.memory_space<vmem>>
      %dma_start3A_199 = tpu.memref_slice %arg33[%add3A_198] : memref<13312xi32, #tpu.memory_space<vmem>> -> memref<128xi32, #tpu.memory_space<vmem>>
      %dma_start3A_200 = arith.constant 0 : i32
      %dma_start3A_201 = tpu.memref_slice %arg26[%dma_start3A_200] : memref<1000000xf32, #tpu.memory_space<hbm>> -> memref<1000000xf32, #tpu.memory_space<hbm>>
      tpu.enqueue_indirect_dma source(%dma_start3A_201 : memref<1000000xf32, #tpu.memory_space<hbm>>) target(%dma_start3A : memref<128xf32, #tpu.memory_space<vmem>>) offsets(%dma_start3A_199 : memref<128xi32, #tpu.memory_space<vmem>>) semaphore(%arg38 : memref<!tpu.dma_semaphore, #tpu.memory_space<semaphore_mem>>)
    }
    %scan3A_163 = arith.constant 4 : i32
    %scan3A_164 = arith.constant 0 : i32
    %scan3A_165 = arith.constant 0 : i32
    %scan3A_166 = arith.constant 4 : i32
    %scan3A_167 = arith.addi %scan3A_165, %scan3A_166 : i32
    %scan3A_168 = arith.constant 1 : i32
    scf.for %scan3A_194 = %scan3A_165 to %scan3A_167 step %scan3A_168  : i32 {
      %mul3A_195 = arith.constant 128 : i32
      %mul3A_196 = arith.muli %scan3A_194, %mul3A_195 : i32
      %add3A_197 = arith.constant 12800 : i32
      %add3A_198 = arith.addi %add3A_197, %mul3A_196 : i32
      %dma_start3A = tpu.memref_slice %arg34[%add3A_198] : memref<13312xf32, #tpu.memory_space<vmem>> -> memref<128xf32, #tpu.memory_space<vmem>>
      %dma_start3A_199 = tpu.memref_slice %arg33[%add3A_198] : memref<13312xi32, #tpu.memory_space<vmem>> -> memref<128xi32, #tpu.memory_space<vmem>>
      %dma_start3A_200 = arith.constant 0 : i32
      %dma_start3A_201 = tpu.memref_slice %arg27[%dma_start3A_200] : memref<1000000xf32, #tpu.memory_space<hbm>> -> memref<1000000xf32, #tpu.memory_space<hbm>>
      tpu.enqueue_indirect_dma source(%dma_start3A_201 : memref<1000000xf32, #tpu.memory_space<hbm>>) target(%dma_start3A : memref<128xf32, #tpu.memory_space<vmem>>) offsets(%dma_start3A_199 : memref<128xi32, #tpu.memory_space<vmem>>) semaphore(%arg38 : memref<!tpu.dma_semaphore, #tpu.memory_space<semaphore_mem>>)
    }
    %scan3A_169 = arith.constant 4 : i32
    %mul3A_170 = arith.constant 13 : i32
    %mul3A_171 = arith.muli %add3A, %mul3A_170 : i32
    %mul3A_172 = arith.constant 512 : i32
    %mul3A_173 = arith.muli %mul3A_171, %mul3A_172 : i32
    "tpu.region"() ({
      %run_scoped3A = tpu.sem_alloc : memref<!tpu.dma_semaphore, #tpu.memory_space<semaphore_mem>>
      %dma_start3A = tpu.memref_slice %arg29[%mul3A_173] : memref<212992xf32, #tpu.memory_space<hbm>> -> memref<6656xf32, #tpu.memory_space<hbm>>
      %dma_start3A_194 = tpu.memref_slice %arg29[%mul3A_173] : memref<212992xf32, #tpu.memory_space<hbm>> -> memref<6656xf32, #tpu.memory_space<hbm>>
      tpu.enqueue_dma source(%dma_start3A_194 : memref<6656xf32, #tpu.memory_space<hbm>>) target(%arg35 : memref<6656xf32, #tpu.memory_space<vmem>>) target_semaphore(%run_scoped3A : memref<!tpu.dma_semaphore, #tpu.memory_space<semaphore_mem>>)
      %dma_wait3A = tpu.memref_slice %arg29[%mul3A_173] : memref<212992xf32, #tpu.memory_space<hbm>> -> memref<6656xf32, #tpu.memory_space<hbm>>
      %dma_wait3A_195 = tpu.memref_slice %arg29[%mul3A_173] : memref<212992xf32, #tpu.memory_space<hbm>> -> memref<6656xf32, #tpu.memory_space<hbm>>
      tpu.wait_dma2 semaphore(%run_scoped3A : memref<!tpu.dma_semaphore, #tpu.memory_space<semaphore_mem>>) src(%dma_wait3A_195 : memref<6656xf32, #tpu.memory_space<hbm>>) dst(%arg35 : memref<6656xf32, #tpu.memory_space<vmem>>)
      tpu.yield
    }) : () -> ()
    "tpu.region"() ({
      %run_scoped3A = tpu.sem_alloc : memref<!tpu.dma_semaphore, #tpu.memory_space<semaphore_mem>>
      tpu.enqueue_dma source(%arg30 : memref<40x16xf32, #tpu.memory_space<hbm>>) target(%arg36 : memref<40x16xf32, #tpu.memory_space<vmem>>) target_semaphore(%run_scoped3A : memref<!tpu.dma_semaphore, #tpu.memory_space<semaphore_mem>>)
      tpu.wait_dma2 semaphore(%run_scoped3A : memref<!tpu.dma_semaphore, #tpu.memory_space<semaphore_mem>>) src(%arg30 : memref<40x16xf32, #tpu.memory_space<hbm>>) dst(%arg36 : memref<40x16xf32, #tpu.memory_space<vmem>>)
      tpu.yield
    }) : () -> ()
    %scan3A_174 = arith.constant 0 : i32
    %scan3A_175 = arith.constant 0 : i32
    %scan3A_176 = arith.constant 32 : i32
    %scan3A_177 = arith.addi %scan3A_175, %scan3A_176 : i32
    %scan3A_178 = arith.constant 1 : i32
    scf.for %scan3A_194 = %scan3A_175 to %scan3A_177 step %scan3A_178  : i32 {
      %get3A = arith.constant 39 : i32
      %get3A_195 = arith.index_cast %get3A : i32 to index
      %get3A_196 = arith.constant 0 : index
      %get3A_197 = tpu.vector_load %arg36[%get3A_195, %get3A_196] {strides = array<i32>} : memref<40x16xf32, #tpu.memory_space<vmem>>, vector<16xf32>,
      %mul3A_198 = arith.constant 208 : i32
      %mul3A_199 = arith.muli %scan3A_194, %mul3A_198 : i32
      %add3A_200 = arith.constant 0 : i32
      %add3A_201 = arith.addi %mul3A_199, %add3A_200 : i32
      %add3A_202 = vector.broadcast %add3A_201 : i32 to vector<16xi32>
      %add3A_203 = arith.addi %mul3A_8, %add3A_202 : vector<16xi32>
      %gather3A = tpu.vector_load_idx %arg35[%add3A_203] : memref<6656xf32, #tpu.memory_space<vmem>>[vector<16xi32>], vector<16xf32>,
      %get3A_204 = arith.constant 26 : i32
      %get3A_205 = arith.index_cast %get3A_204 : i32 to index
      %get3A_206 = arith.constant 0 : index
      %get3A_207 = tpu.vector_load %arg36[%get3A_205, %get3A_206] {strides = array<i32>} : memref<40x16xf32, #tpu.memory_space<vmem>>, vector<16xf32>,
      %mul3A_208 = arith.mulf %gather3A, %get3A_207 : vector<16xf32>
      %add3A_209 = arith.addf %get3A_197, %mul3A_208 : vector<16xf32>
      %add3A_210 = arith.constant 1 : i32
      %add3A_211 = arith.addi %mul3A_199, %add3A_210 : i32
      %add3A_212 = vector.broadcast %add3A_211 : i32 to vector<16xi32>
      %add3A_213 = arith.addi %mul3A_8, %add3A_212 : vector<16xi32>
      %gather3A_214 = tpu.vector_load_idx %arg35[%add3A_213] : memref<6656xf32, #tpu.memory_space<vmem>>[vector<16xi32>], vector<16xf32>,
      %get3A_215 = arith.constant 27 : i32
      %get3A_216 = arith.index_cast %get3A_215 : i32 to index
      %get3A_217 = arith.constant 0 : index
      %get3A_218 = tpu.vector_load %arg36[%get3A_216, %get3A_217] {strides = array<i32>} : memref<40x16xf32, #tpu.memory_space<vmem>>, vector<16xf32>,
      %mul3A_219 = arith.mulf %gather3A_214, %get3A_218 : vector<16xf32>
      %add3A_220 = arith.addf %add3A_209, %mul3A_219 : vector<16xf32>
      %add3A_221 = arith.constant 2 : i32
      %add3A_222 = arith.addi %mul3A_199, %add3A_221 : i32
      %add3A_223 = vector.broadcast %add3A_222 : i32 to vector<16xi32>
      %add3A_224 = arith.addi %mul3A_8, %add3A_223 : vector<16xi32>
      %gather3A_225 = tpu.vector_load_idx %arg35[%add3A_224] : memref<6656xf32, #tpu.memory_space<vmem>>[vector<16xi32>], vector<16xf32>,
      %get3A_226 = arith.constant 28 : i32
      %get3A_227 = arith.index_cast %get3A_226 : i32 to index
      %get3A_228 = arith.constant 0 : index
      %get3A_229 = tpu.vector_load %arg36[%get3A_227, %get3A_228] {strides = array<i32>} : memref<40x16xf32, #tpu.memory_space<vmem>>, vector<16xf32>,
      %mul3A_230 = arith.mulf %gather3A_225, %get3A_229 : vector<16xf32>
      %add3A_231 = arith.addf %add3A_220, %mul3A_230 : vector<16xf32>
      %add3A_232 = arith.constant 3 : i32
      %add3A_233 = arith.addi %mul3A_199, %add3A_232 : i32
      %add3A_234 = vector.broadcast %add3A_233 : i32 to vector<16xi32>
      %add3A_235 = arith.addi %mul3A_8, %add3A_234 : vector<16xi32>
      %gather3A_236 = tpu.vector_load_idx %arg35[%add3A_235] : memref<6656xf32, #tpu.memory_space<vmem>>[vector<16xi32>], vector<16xf32>,
      %get3A_237 = arith.constant 29 : i32
      %get3A_238 = arith.index_cast %get3A_237 : i32 to index
      %get3A_239 = arith.constant 0 : index
      %get3A_240 = tpu.vector_load %arg36[%get3A_238, %get3A_239] {strides = array<i32>} : memref<40x16xf32, #tpu.memory_space<vmem>>, vector<16xf32>,
      %mul3A_241 = arith.mulf %gather3A_236, %get3A_240 : vector<16xf32>
      %add3A_242 = arith.addf %add3A_231, %mul3A_241 : vector<16xf32>
      %add3A_243 = arith.constant 4 : i32
      %add3A_244 = arith.addi %mul3A_199, %add3A_243 : i32
      %add3A_245 = vector.broadcast %add3A_244 : i32 to vector<16xi32>
      %add3A_246 = arith.addi %mul3A_8, %add3A_245 : vector<16xi32>
      %gather3A_247 = tpu.vector_load_idx %arg35[%add3A_246] : memref<6656xf32, #tpu.memory_space<vmem>>[vector<16xi32>], vector<16xf32>,
      %get3A_248 = arith.constant 30 : i32
      %get3A_249 = arith.index_cast %get3A_248 : i32 to index
      %get3A_250 = arith.constant 0 : index
      %get3A_251 = tpu.vector_load %arg36[%get3A_249, %get3A_250] {strides = array<i32>} : memref<40x16xf32, #tpu.memory_space<vmem>>, vector<16xf32>,
      %mul3A_252 = arith.mulf %gather3A_247, %get3A_251 : vector<16xf32>
      %add3A_253 = arith.addf %add3A_242, %mul3A_252 : vector<16xf32>
      %add3A_254 = arith.constant 5 : i32
      %add3A_255 = arith.addi %mul3A_199, %add3A_254 : i32
      %add3A_256 = vector.broadcast %add3A_255 : i32 to vector<16xi32>
      %add3A_257 = arith.addi %mul3A_8, %add3A_256 : vector<16xi32>
      %gather3A_258 = tpu.vector_load_idx %arg35[%add3A_257] : memref<6656xf32, #tpu.memory_space<vmem>>[vector<16xi32>], vector<16xf32>,
      %get3A_259 = arith.constant 31 : i32
      %get3A_260 = arith.index_cast %get3A_259 : i32 to index
      %get3A_261 = arith.constant 0 : index
      %get3A_262 = tpu.vector_load %arg36[%get3A_260, %get3A_261] {strides = array<i32>} : memref<40x16xf32, #tpu.memory_space<vmem>>, vector<16xf32>,
      %mul3A_263 = arith.mulf %gather3A_258, %get3A_262 : vector<16xf32>
      %add3A_264 = arith.addf %add3A_253, %mul3A_263 : vector<16xf32>
      %add3A_265 = arith.constant 6 : i32
      %add3A_266 = arith.addi %mul3A_199, %add3A_265 : i32
      %add3A_267 = vector.broadcast %add3A_266 : i32 to vector<16xi32>
      %add3A_268 = arith.addi %mul3A_8, %add3A_267 : vector<16xi32>
      %gather3A_269 = tpu.vector_load_idx %arg35[%add3A_268] : memref<6656xf32, #tpu.memory_space<vmem>>[vector<16xi32>], vector<16xf32>,
      %get3A_270 = arith.constant 32 : i32
      %get3A_271 = arith.index_cast %get3A_270 : i32 to index
      %get3A_272 = arith.constant 0 : index
      %get3A_273 = tpu.vector_load %arg36[%get3A_271, %get3A_272] {strides = array<i32>} : memref<40x16xf32, #tpu.memory_space<vmem>>, vector<16xf32>,
      %mul3A_274 = arith.mulf %gather3A_269, %get3A_273 : vector<16xf32>
      %add3A_275 = arith.addf %add3A_264, %mul3A_274 : vector<16xf32>
      %add3A_276 = arith.constant 7 : i32
      %add3A_277 = arith.addi %mul3A_199, %add3A_276 : i32
      %add3A_278 = vector.broadcast %add3A_277 : i32 to vector<16xi32>
      %add3A_279 = arith.addi %mul3A_8, %add3A_278 : vector<16xi32>
      %gather3A_280 = tpu.vector_load_idx %arg35[%add3A_279] : memref<6656xf32, #tpu.memory_space<vmem>>[vector<16xi32>], vector<16xf32>,
      %get3A_281 = arith.constant 33 : i32
      %get3A_282 = arith.index_cast %get3A_281 : i32 to index
      %get3A_283 = arith.constant 0 : index
      %get3A_284 = tpu.vector_load %arg36[%get3A_282, %get3A_283] {strides = array<i32>} : memref<40x16xf32, #tpu.memory_space<vmem>>, vector<16xf32>,
      %mul3A_285 = arith.mulf %gather3A_280, %get3A_284 : vector<16xf32>
      %add3A_286 = arith.addf %add3A_275, %mul3A_285 : vector<16xf32>
      %add3A_287 = arith.constant 8 : i32
      %add3A_288 = arith.addi %mul3A_199, %add3A_287 : i32
      %add3A_289 = vector.broadcast %add3A_288 : i32 to vector<16xi32>
      %add3A_290 = arith.addi %mul3A_8, %add3A_289 : vector<16xi32>
      %gather3A_291 = tpu.vector_load_idx %arg35[%add3A_290] : memref<6656xf32, #tpu.memory_space<vmem>>[vector<16xi32>], vector<16xf32>,
      %get3A_292 = arith.constant 34 : i32
      %get3A_293 = arith.index_cast %get3A_292 : i32 to index
      %get3A_294 = arith.constant 0 : index
      %get3A_295 = tpu.vector_load %arg36[%get3A_293, %get3A_294] {strides = array<i32>} : memref<40x16xf32, #tpu.memory_space<vmem>>, vector<16xf32>,
      %mul3A_296 = arith.mulf %gather3A_291, %get3A_295 : vector<16xf32>
      %add3A_297 = arith.addf %add3A_286, %mul3A_296 : vector<16xf32>
      %add3A_298 = arith.constant 9 : i32
      %add3A_299 = arith.addi %mul3A_199, %add3A_298 : i32
      %add3A_300 = vector.broadcast %add3A_299 : i32 to vector<16xi32>
      %add3A_301 = arith.addi %mul3A_8, %add3A_300 : vector<16xi32>
      %gather3A_302 = tpu.vector_load_idx %arg35[%add3A_301] : memref<6656xf32, #tpu.memory_space<vmem>>[vector<16xi32>], vector<16xf32>,
      %get3A_303 = arith.constant 35 : i32
      %get3A_304 = arith.index_cast %get3A_303 : i32 to index
      %get3A_305 = arith.constant 0 : index
      %get3A_306 = tpu.vector_load %arg36[%get3A_304, %get3A_305] {strides = array<i32>} : memref<40x16xf32, #tpu.memory_space<vmem>>, vector<16xf32>,
      %mul3A_307 = arith.mulf %gather3A_302, %get3A_306 : vector<16xf32>
      %add3A_308 = arith.addf %add3A_297, %mul3A_307 : vector<16xf32>
      %add3A_309 = arith.constant 10 : i32
      %add3A_310 = arith.addi %mul3A_199, %add3A_309 : i32
      %add3A_311 = vector.broadcast %add3A_310 : i32 to vector<16xi32>
      %add3A_312 = arith.addi %mul3A_8, %add3A_311 : vector<16xi32>
      %gather3A_313 = tpu.vector_load_idx %arg35[%add3A_312] : memref<6656xf32, #tpu.memory_space<vmem>>[vector<16xi32>], vector<16xf32>,
      %get3A_314 = arith.constant 36 : i32
      %get3A_315 = arith.index_cast %get3A_314 : i32 to index
      %get3A_316 = arith.constant 0 : index
      %get3A_317 = tpu.vector_load %arg36[%get3A_315, %get3A_316] {strides = array<i32>} : memref<40x16xf32, #tpu.memory_space<vmem>>, vector<16xf32>,
      %mul3A_318 = arith.mulf %gather3A_313, %get3A_317 : vector<16xf32>
      %add3A_319 = arith.addf %add3A_308, %mul3A_318 : vector<16xf32>
      %add3A_320 = arith.constant 11 : i32
      %add3A_321 = arith.addi %mul3A_199, %add3A_320 : i32
      %add3A_322 = vector.broadcast %add3A_321 : i32 to vector<16xi32>
      %add3A_323 = arith.addi %mul3A_8, %add3A_322 : vector<16xi32>
      %gather3A_324 = tpu.vector_load_idx %arg35[%add3A_323] : memref<6656xf32, #tpu.memory_space<vmem>>[vector<16xi32>], vector<16xf32>,
      %get3A_325 = arith.constant 37 : i32
      %get3A_326 = arith.index_cast %get3A_325 : i32 to index
      %get3A_327 = arith.constant 0 : index
      %get3A_328 = tpu.vector_load %arg36[%get3A_326, %get3A_327] {strides = array<i32>} : memref<40x16xf32, #tpu.memory_space<vmem>>, vector<16xf32>,
      %mul3A_329 = arith.mulf %gather3A_324, %get3A_328 : vector<16xf32>
      %add3A_330 = arith.addf %add3A_319, %mul3A_329 : vector<16xf32>
      %add3A_331 = arith.constant 12 : i32
      %add3A_332 = arith.addi %mul3A_199, %add3A_331 : i32
      %add3A_333 = vector.broadcast %add3A_332 : i32 to vector<16xi32>
      %add3A_334 = arith.addi %mul3A_8, %add3A_333 : vector<16xi32>
      %gather3A_335 = tpu.vector_load_idx %arg35[%add3A_334] : memref<6656xf32, #tpu.memory_space<vmem>>[vector<16xi32>], vector<16xf32>,
      %get3A_336 = arith.constant 38 : i32
      %get3A_337 = arith.index_cast %get3A_336 : i32 to index
      %get3A_338 = arith.constant 0 : index
      %get3A_339 = tpu.vector_load %arg36[%get3A_337, %get3A_338] {strides = array<i32>} : memref<40x16xf32, #tpu.memory_space<vmem>>, vector<16xf32>,
      %mul3A_340 = arith.mulf %gather3A_335, %get3A_339 : vector<16xf32>
      %add3A_341 = arith.addf %add3A_330, %mul3A_340 : vector<16xf32>
      %mul3A_342 = arith.constant 16 : i32
      %mul3A_343 = arith.muli %scan3A_194, %mul3A_342 : i32
      %swap3A = arith.index_cast %mul3A_343 : i32 to index
      %swap3A_344 = tpu.vector_load %arg37[%swap3A] {strides = array<i32>} : memref<512xf32, #tpu.memory_space<vmem>>, vector<16xf32>,
      tpu.vector_store %arg37[%swap3A], %add3A_341 {strides = array<i32>} : memref<512xf32, #tpu.memory_space<vmem>>, vector<16xf32>,
    }
    %scan3A_179 = arith.constant 32 : i32
    %scan3A_180 = arith.constant 0 : i32
    %scan3A_181 = arith.constant 0 : i32
    %scan3A_182 = arith.constant 104 : i32
    %scan3A_183 = arith.addi %scan3A_181, %scan3A_182 : i32
    %scan3A_184 = arith.constant 1 : i32
    scf.for %scan3A_194 = %scan3A_181 to %scan3A_183 step %scan3A_184  : i32 {
      %dma_wait3A = arith.constant 0 : i32
      %dma_wait3A_195 = tpu.memref_slice %arg34[%dma_wait3A] : memref<13312xf32, #tpu.memory_space<vmem>> -> memref<128xf32, #tpu.memory_space<vmem>>
      %dma_wait3A_196 = arith.constant 0 : i32
      %dma_wait3A_197 = tpu.memref_slice %arg33[%dma_wait3A_196] : memref<13312xi32, #tpu.memory_space<vmem>> -> memref<128xi32, #tpu.memory_space<vmem>>
      %dma_wait3A_198 = arith.constant 0 : i32
      %dma_wait3A_199 = tpu.memref_slice %arg2[%dma_wait3A_198] : memref<1000000xf32, #tpu.memory_space<hbm>> -> memref<1000000xf32, #tpu.memory_space<hbm>>
      tpu.wait_indirect_dma semaphore(%arg38 : memref<!tpu.dma_semaphore, #tpu.memory_space<semaphore_mem>>) src(%dma_wait3A_199 : memref<1000000xf32, #tpu.memory_space<hbm>>) dst(%dma_wait3A_195 : memref<128xf32, #tpu.memory_space<vmem>>)
    }
    %scan3A_185 = arith.constant 104 : i32
    %scan3A_186 = arith.constant 0 : i32
    %scan3A_187 = arith.constant 0 : i32
    %scan3A_188 = arith.constant 32 : i32
    %scan3A_189 = arith.addi %scan3A_187, %scan3A_188 : i32
    %scan3A_190 = arith.constant 1 : i32
    scf.for %scan3A_194 = %scan3A_187 to %scan3A_189 step %scan3A_190  : i32 {
      %mul3A_195 = arith.constant 16 : i32
      %mul3A_196 = arith.muli %scan3A_194, %mul3A_195 : i32
      %get3A = arith.index_cast %mul3A_196 : i32 to index
      %get3A_197 = tpu.vector_load %arg37[%get3A] {strides = array<i32>} : memref<512xf32, #tpu.memory_space<vmem>>, vector<16xf32>,
      %mul3A_198 = arith.constant 16 : i32
      %mul3A_199 = arith.muli %scan3A_194, %mul3A_198 : i32
      %add3A_200 = arith.constant 0 : i32
      %add3A_201 = arith.addi %add3A_200, %mul3A_199 : i32
      %get3A_202 = arith.index_cast %add3A_201 : i32 to index
      %get3A_203 = tpu.vector_load %arg34[%get3A_202] {strides = array<i32>} : memref<13312xf32, #tpu.memory_space<vmem>>, vector<16xf32>,
      %get3A_204 = arith.constant 0 : i32
      %get3A_205 = arith.index_cast %get3A_204 : i32 to index
      %get3A_206 = arith.constant 0 : index
      %get3A_207 = tpu.vector_load %arg36[%get3A_205, %get3A_206] {strides = array<i32>} : memref<40x16xf32, #tpu.memory_space<vmem>>, vector<16xf32>,
      %mul3A_208 = arith.mulf %get3A_203, %get3A_207 : vector<16xf32>
      %add3A_209 = arith.addf %get3A_197, %mul3A_208 : vector<16xf32>
      %mul3A_210 = arith.constant 16 : i32
      %mul3A_211 = arith.muli %scan3A_194, %mul3A_210 : i32
      %add3A_212 = arith.constant 512 : i32
      %add3A_213 = arith.addi %add3A_212, %mul3A_211 : i32
      %get3A_214 = arith.index_cast %add3A_213 : i32 to index
      %get3A_215 = tpu.vector_load %arg34[%get3A_214] {strides = array<i32>} : memref<13312xf32, #tpu.memory_space<vmem>>, vector<16xf32>,
      %get3A_216 = arith.constant 1 : i32
      %get3A_217 = arith.index_cast %get3A_216 : i32 to index
      %get3A_218 = arith.constant 0 : index
      %get3A_219 = tpu.vector_load %arg36[%get3A_217, %get3A_218] {strides = array<i32>} : memref<40x16xf32, #tpu.memory_space<vmem>>, vector<16xf32>,
      %mul3A_220 = arith.mulf %get3A_215, %get3A_219 : vector<16xf32>
      %add3A_221 = arith.addf %add3A_209, %mul3A_220 : vector<16xf32>
      %mul3A_222 = arith.constant 16 : i32
      %mul3A_223 = arith.muli %scan3A_194, %mul3A_222 : i32
      %add3A_224 = arith.constant 1024 : i32
      %add3A_225 = arith.addi %add3A_224, %mul3A_223 : i32
      %get3A_226 = arith.index_cast %add3A_225 : i32 to index
      %get3A_227 = tpu.vector_load %arg34[%get3A_226] {strides = array<i32>} : memref<13312xf32, #tpu.memory_space<vmem>>, vector<16xf32>,
      %get3A_228 = arith.constant 2 : i32
      %get3A_229 = arith.index_cast %get3A_228 : i32 to index
      %get3A_230 = arith.constant 0 : index
      %get3A_231 = tpu.vector_load %arg36[%get3A_229, %get3A_230] {strides = array<i32>} : memref<40x16xf32, #tpu.memory_space<vmem>>, vector<16xf32>,
      %mul3A_232 = arith.mulf %get3A_227, %get3A_231 : vector<16xf32>
      %add3A_233 = arith.addf %add3A_221, %mul3A_232 : vector<16xf32>
      %mul3A_234 = arith.constant 16 : i32
      %mul3A_235 = arith.muli %scan3A_194, %mul3A_234 : i32
      %add3A_236 = arith.constant 1536 : i32
      %add3A_237 = arith.addi %add3A_236, %mul3A_235 : i32
      %get3A_238 = arith.index_cast %add3A_237 : i32 to index
      %get3A_239 = tpu.vector_load %arg34[%get3A_238] {strides = array<i32>} : memref<13312xf32, #tpu.memory_space<vmem>>, vector<16xf32>,
      %get3A_240 = arith.constant 3 : i32
      %get3A_241 = arith.index_cast %get3A_240 : i32 to index
      %get3A_242 = arith.constant 0 : index
      %get3A_243 = tpu.vector_load %arg36[%get3A_241, %get3A_242] {strides = array<i32>} : memref<40x16xf32, #tpu.memory_space<vmem>>, vector<16xf32>,
      %mul3A_244 = arith.mulf %get3A_239, %get3A_243 : vector<16xf32>
      %add3A_245 = arith.addf %add3A_233, %mul3A_244 : vector<16xf32>
      %mul3A_246 = arith.constant 16 : i32
      %mul3A_247 = arith.muli %scan3A_194, %mul3A_246 : i32
      %add3A_248 = arith.constant 2048 : i32
      %add3A_249 = arith.addi %add3A_248, %mul3A_247 : i32
      %get3A_250 = arith.index_cast %add3A_249 : i32 to index
      %get3A_251 = tpu.vector_load %arg34[%get3A_250] {strides = array<i32>} : memref<13312xf32, #tpu.memory_space<vmem>>, vector<16xf32>,
      %get3A_252 = arith.constant 4 : i32
      %get3A_253 = arith.index_cast %get3A_252 : i32 to index
      %get3A_254 = arith.constant 0 : index
      %get3A_255 = tpu.vector_load %arg36[%get3A_253, %get3A_254] {strides = array<i32>} : memref<40x16xf32, #tpu.memory_space<vmem>>, vector<16xf32>,
      %mul3A_256 = arith.mulf %get3A_251, %get3A_255 : vector<16xf32>
      %add3A_257 = arith.addf %add3A_245, %mul3A_256 : vector<16xf32>
      %mul3A_258 = arith.constant 16 : i32
      %mul3A_259 = arith.muli %scan3A_194, %mul3A_258 : i32
      %add3A_260 = arith.constant 2560 : i32
      %add3A_261 = arith.addi %add3A_260, %mul3A_259 : i32
      %get3A_262 = arith.index_cast %add3A_261 : i32 to index
      %get3A_263 = tpu.vector_load %arg34[%get3A_262] {strides = array<i32>} : memref<13312xf32, #tpu.memory_space<vmem>>, vector<16xf32>,
      %get3A_264 = arith.constant 5 : i32
      %get3A_265 = arith.index_cast %get3A_264 : i32 to index
      %get3A_266 = arith.constant 0 : index
      %get3A_267 = tpu.vector_load %arg36[%get3A_265, %get3A_266] {strides = array<i32>} : memref<40x16xf32, #tpu.memory_space<vmem>>, vector<16xf32>,
      %mul3A_268 = arith.mulf %get3A_263, %get3A_267 : vector<16xf32>
      %add3A_269 = arith.addf %add3A_257, %mul3A_268 : vector<16xf32>
      %mul3A_270 = arith.constant 16 : i32
      %mul3A_271 = arith.muli %scan3A_194, %mul3A_270 : i32
      %add3A_272 = arith.constant 3072 : i32
      %add3A_273 = arith.addi %add3A_272, %mul3A_271 : i32
      %get3A_274 = arith.index_cast %add3A_273 : i32 to index
      %get3A_275 = tpu.vector_load %arg34[%get3A_274] {strides = array<i32>} : memref<13312xf32, #tpu.memory_space<vmem>>, vector<16xf32>,
      %get3A_276 = arith.constant 6 : i32
      %get3A_277 = arith.index_cast %get3A_276 : i32 to index
      %get3A_278 = arith.constant 0 : index
      %get3A_279 = tpu.vector_load %arg36[%get3A_277, %get3A_278] {strides = array<i32>} : memref<40x16xf32, #tpu.memory_space<vmem>>, vector<16xf32>,
      %mul3A_280 = arith.mulf %get3A_275, %get3A_279 : vector<16xf32>
      %add3A_281 = arith.addf %add3A_269, %mul3A_280 : vector<16xf32>
      %mul3A_282 = arith.constant 16 : i32
      %mul3A_283 = arith.muli %scan3A_194, %mul3A_282 : i32
      %add3A_284 = arith.constant 3584 : i32
      %add3A_285 = arith.addi %add3A_284, %mul3A_283 : i32
      %get3A_286 = arith.index_cast %add3A_285 : i32 to index
      %get3A_287 = tpu.vector_load %arg34[%get3A_286] {strides = array<i32>} : memref<13312xf32, #tpu.memory_space<vmem>>, vector<16xf32>,
      %get3A_288 = arith.constant 7 : i32
      %get3A_289 = arith.index_cast %get3A_288 : i32 to index
      %get3A_290 = arith.constant 0 : index
      %get3A_291 = tpu.vector_load %arg36[%get3A_289, %get3A_290] {strides = array<i32>} : memref<40x16xf32, #tpu.memory_space<vmem>>, vector<16xf32>,
      %mul3A_292 = arith.mulf %get3A_287, %get3A_291 : vector<16xf32>
      %add3A_293 = arith.addf %add3A_281, %mul3A_292 : vector<16xf32>
      %mul3A_294 = arith.constant 16 : i32
      %mul3A_295 = arith.muli %scan3A_194, %mul3A_294 : i32
      %add3A_296 = arith.constant 4096 : i32
      %add3A_297 = arith.addi %add3A_296, %mul3A_295 : i32
      %get3A_298 = arith.index_cast %add3A_297 : i32 to index
      %get3A_299 = tpu.vector_load %arg34[%get3A_298] {strides = array<i32>} : memref<13312xf32, #tpu.memory_space<vmem>>, vector<16xf32>,
      %get3A_300 = arith.constant 8 : i32
      %get3A_301 = arith.index_cast %get3A_300 : i32 to index
      %get3A_302 = arith.constant 0 : index
      %get3A_303 = tpu.vector_load %arg36[%get3A_301, %get3A_302] {strides = array<i32>} : memref<40x16xf32, #tpu.memory_space<vmem>>, vector<16xf32>,
      %mul3A_304 = arith.mulf %get3A_299, %get3A_303 : vector<16xf32>
      %add3A_305 = arith.addf %add3A_293, %mul3A_304 : vector<16xf32>
      %mul3A_306 = arith.constant 16 : i32
      %mul3A_307 = arith.muli %scan3A_194, %mul3A_306 : i32
      %add3A_308 = arith.constant 4608 : i32
      %add3A_309 = arith.addi %add3A_308, %mul3A_307 : i32
      %get3A_310 = arith.index_cast %add3A_309 : i32 to index
      %get3A_311 = tpu.vector_load %arg34[%get3A_310] {strides = array<i32>} : memref<13312xf32, #tpu.memory_space<vmem>>, vector<16xf32>,
      %get3A_312 = arith.constant 9 : i32
      %get3A_313 = arith.index_cast %get3A_312 : i32 to index
      %get3A_314 = arith.constant 0 : index
      %get3A_315 = tpu.vector_load %arg36[%get3A_313, %get3A_314] {strides = array<i32>} : memref<40x16xf32, #tpu.memory_space<vmem>>, vector<16xf32>,
      %mul3A_316 = arith.mulf %get3A_311, %get3A_315 : vector<16xf32>
      %add3A_317 = arith.addf %add3A_305, %mul3A_316 : vector<16xf32>
      %mul3A_318 = arith.constant 16 : i32
      %mul3A_319 = arith.muli %scan3A_194, %mul3A_318 : i32
      %add3A_320 = arith.constant 5120 : i32
      %add3A_321 = arith.addi %add3A_320, %mul3A_319 : i32
      %get3A_322 = arith.index_cast %add3A_321 : i32 to index
      %get3A_323 = tpu.vector_load %arg34[%get3A_322] {strides = array<i32>} : memref<13312xf32, #tpu.memory_space<vmem>>, vector<16xf32>,
      %get3A_324 = arith.constant 10 : i32
      %get3A_325 = arith.index_cast %get3A_324 : i32 to index
      %get3A_326 = arith.constant 0 : index
      %get3A_327 = tpu.vector_load %arg36[%get3A_325, %get3A_326] {strides = array<i32>} : memref<40x16xf32, #tpu.memory_space<vmem>>, vector<16xf32>,
      %mul3A_328 = arith.mulf %get3A_323, %get3A_327 : vector<16xf32>
      %add3A_329 = arith.addf %add3A_317, %mul3A_328 : vector<16xf32>
      %mul3A_330 = arith.constant 16 : i32
      %mul3A_331 = arith.muli %scan3A_194, %mul3A_330 : i32
      %add3A_332 = arith.constant 5632 : i32
      %add3A_333 = arith.addi %add3A_332, %mul3A_331 : i32
      %get3A_334 = arith.index_cast %add3A_333 : i32 to index
      %get3A_335 = tpu.vector_load %arg34[%get3A_334] {strides = array<i32>} : memref<13312xf32, #tpu.memory_space<vmem>>, vector<16xf32>,
      %get3A_336 = arith.constant 11 : i32
      %get3A_337 = arith.index_cast %get3A_336 : i32 to index
      %get3A_338 = arith.constant 0 : index
      %get3A_339 = tpu.vector_load %arg36[%get3A_337, %get3A_338] {strides = array<i32>} : memref<40x16xf32, #tpu.memory_space<vmem>>, vector<16xf32>,
      %mul3A_340 = arith.mulf %get3A_335, %get3A_339 : vector<16xf32>
      %add3A_341 = arith.addf %add3A_329, %mul3A_340 : vector<16xf32>
      %mul3A_342 = arith.constant 16 : i32
      %mul3A_343 = arith.muli %scan3A_194, %mul3A_342 : i32
      %add3A_344 = arith.constant 6144 : i32
      %add3A_345 = arith.addi %add3A_344, %mul3A_343 : i32
      %get3A_346 = arith.index_cast %add3A_345 : i32 to index
      %get3A_347 = tpu.vector_load %arg34[%get3A_346] {strides = array<i32>} : memref<13312xf32, #tpu.memory_space<vmem>>, vector<16xf32>,
      %get3A_348 = arith.constant 12 : i32
      %get3A_349 = arith.index_cast %get3A_348 : i32 to index
      %get3A_350 = arith.constant 0 : index
      %get3A_351 = tpu.vector_load %arg36[%get3A_349, %get3A_350] {strides = array<i32>} : memref<40x16xf32, #tpu.memory_space<vmem>>, vector<16xf32>,
      %mul3A_352 = arith.mulf %get3A_347, %get3A_351 : vector<16xf32>
      %add3A_353 = arith.addf %add3A_341, %mul3A_352 : vector<16xf32>
      %mul3A_354 = arith.constant 16 : i32
      %mul3A_355 = arith.muli %scan3A_194, %mul3A_354 : i32
      %add3A_356 = arith.constant 6656 : i32
      %add3A_357 = arith.addi %add3A_356, %mul3A_355 : i32
      %get3A_358 = arith.index_cast %add3A_357 : i32 to index
      %get3A_359 = tpu.vector_load %arg34[%get3A_358] {strides = array<i32>} : memref<13312xf32, #tpu.memory_space<vmem>>, vector<16xf32>,
      %get3A_360 = arith.constant 13 : i32
      %get3A_361 = arith.index_cast %get3A_360 : i32 to index
      %get3A_362 = arith.constant 0 : index
      %get3A_363 = tpu.vector_load %arg36[%get3A_361, %get3A_362] {strides = array<i32>} : memref<40x16xf32, #tpu.memory_space<vmem>>, vector<16xf32>,
      %mul3A_364 = arith.mulf %get3A_359, %get3A_363 : vector<16xf32>
      %add3A_365 = arith.addf %add3A_353, %mul3A_364 : vector<16xf32>
      %mul3A_366 = arith.constant 16 : i32
      %mul3A_367 = arith.muli %scan3A_194, %mul3A_366 : i32
      %add3A_368 = arith.constant 7168 : i32
      %add3A_369 = arith.addi %add3A_368, %mul3A_367 : i32
      %get3A_370 = arith.index_cast %add3A_369 : i32 to index
      %get3A_371 = tpu.vector_load %arg34[%get3A_370] {strides = array<i32>} : memref<13312xf32, #tpu.memory_space<vmem>>, vector<16xf32>,
      %get3A_372 = arith.constant 14 : i32
      %get3A_373 = arith.index_cast %get3A_372 : i32 to index
      %get3A_374 = arith.constant 0 : index
      %get3A_375 = tpu.vector_load %arg36[%get3A_373, %get3A_374] {strides = array<i32>} : memref<40x16xf32, #tpu.memory_space<vmem>>, vector<16xf32>,
      %mul3A_376 = arith.mulf %get3A_371, %get3A_375 : vector<16xf32>
      %add3A_377 = arith.addf %add3A_365, %mul3A_376 : vector<16xf32>
      %mul3A_378 = arith.constant 16 : i32
      %mul3A_379 = arith.muli %scan3A_194, %mul3A_378 : i32
      %add3A_380 = arith.constant 7680 : i32
      %add3A_381 = arith.addi %add3A_380, %mul3A_379 : i32
      %get3A_382 = arith.index_cast %add3A_381 : i32 to index
      %get3A_383 = tpu.vector_load %arg34[%get3A_382] {strides = array<i32>} : memref<13312xf32, #tpu.memory_space<vmem>>, vector<16xf32>,
      %get3A_384 = arith.constant 15 : i32
      %get3A_385 = arith.index_cast %get3A_384 : i32 to index
      %get3A_386 = arith.constant 0 : index
      %get3A_387 = tpu.vector_load %arg36[%get3A_385, %get3A_386] {strides = array<i32>} : memref<40x16xf32, #tpu.memory_space<vmem>>, vector<16xf32>,
      %mul3A_388 = arith.mulf %get3A_383, %get3A_387 : vector<16xf32>
      %add3A_389 = arith.addf %add3A_377, %mul3A_388 : vector<16xf32>
      %mul3A_390 = arith.constant 16 : i32
      %mul3A_391 = arith.muli %scan3A_194, %mul3A_390 : i32
      %add3A_392 = arith.constant 8192 : i32
      %add3A_393 = arith.addi %add3A_392, %mul3A_391 : i32
      %get3A_394 = arith.index_cast %add3A_393 : i32 to index
      %get3A_395 = tpu.vector_load %arg34[%get3A_394] {strides = array<i32>} : memref<13312xf32, #tpu.memory_space<vmem>>, vector<16xf32>,
      %get3A_396 = arith.constant 16 : i32
      %get3A_397 = arith.index_cast %get3A_396 : i32 to index
      %get3A_398 = arith.constant 0 : index
      %get3A_399 = tpu.vector_load %arg36[%get3A_397, %get3A_398] {strides = array<i32>} : memref<40x16xf32, #tpu.memory_space<vmem>>, vector<16xf32>,
      %mul3A_400 = arith.mulf %get3A_395, %get3A_399 : vector<16xf32>
      %add3A_401 = arith.addf %add3A_389, %mul3A_400 : vector<16xf32>
      %mul3A_402 = arith.constant 16 : i32
      %mul3A_403 = arith.muli %scan3A_194, %mul3A_402 : i32
      %add3A_404 = arith.constant 8704 : i32
      %add3A_405 = arith.addi %add3A_404, %mul3A_403 : i32
      %get3A_406 = arith.index_cast %add3A_405 : i32 to index
      %get3A_407 = tpu.vector_load %arg34[%get3A_406] {strides = array<i32>} : memref<13312xf32, #tpu.memory_space<vmem>>, vector<16xf32>,
      %get3A_408 = arith.constant 17 : i32
      %get3A_409 = arith.index_cast %get3A_408 : i32 to index
      %get3A_410 = arith.constant 0 : index
      %get3A_411 = tpu.vector_load %arg36[%get3A_409, %get3A_410] {strides = array<i32>} : memref<40x16xf32, #tpu.memory_space<vmem>>, vector<16xf32>,
      %mul3A_412 = arith.mulf %get3A_407, %get3A_411 : vector<16xf32>
      %add3A_413 = arith.addf %add3A_401, %mul3A_412 : vector<16xf32>
      %mul3A_414 = arith.constant 16 : i32
      %mul3A_415 = arith.muli %scan3A_194, %mul3A_414 : i32
      %add3A_416 = arith.constant 9216 : i32
      %add3A_417 = arith.addi %add3A_416, %mul3A_415 : i32
      %get3A_418 = arith.index_cast %add3A_417 : i32 to index
      %get3A_419 = tpu.vector_load %arg34[%get3A_418] {strides = array<i32>} : memref<13312xf32, #tpu.memory_space<vmem>>, vector<16xf32>,
      %get3A_420 = arith.constant 18 : i32
      %get3A_421 = arith.index_cast %get3A_420 : i32 to index
      %get3A_422 = arith.constant 0 : index
      %get3A_423 = tpu.vector_load %arg36[%get3A_421, %get3A_422] {strides = array<i32>} : memref<40x16xf32, #tpu.memory_space<vmem>>, vector<16xf32>,
      %mul3A_424 = arith.mulf %get3A_419, %get3A_423 : vector<16xf32>
      %add3A_425 = arith.addf %add3A_413, %mul3A_424 : vector<16xf32>
      %mul3A_426 = arith.constant 16 : i32
      %mul3A_427 = arith.muli %scan3A_194, %mul3A_426 : i32
      %add3A_428 = arith.constant 9728 : i32
      %add3A_429 = arith.addi %add3A_428, %mul3A_427 : i32
      %get3A_430 = arith.index_cast %add3A_429 : i32 to index
      %get3A_431 = tpu.vector_load %arg34[%get3A_430] {strides = array<i32>} : memref<13312xf32, #tpu.memory_space<vmem>>, vector<16xf32>,
      %get3A_432 = arith.constant 19 : i32
      %get3A_433 = arith.index_cast %get3A_432 : i32 to index
      %get3A_434 = arith.constant 0 : index
      %get3A_435 = tpu.vector_load %arg36[%get3A_433, %get3A_434] {strides = array<i32>} : memref<40x16xf32, #tpu.memory_space<vmem>>, vector<16xf32>,
      %mul3A_436 = arith.mulf %get3A_431, %get3A_435 : vector<16xf32>
      %add3A_437 = arith.addf %add3A_425, %mul3A_436 : vector<16xf32>
      %mul3A_438 = arith.constant 16 : i32
      %mul3A_439 = arith.muli %scan3A_194, %mul3A_438 : i32
      %add3A_440 = arith.constant 10240 : i32
      %add3A_441 = arith.addi %add3A_440, %mul3A_439 : i32
      %get3A_442 = arith.index_cast %add3A_441 : i32 to index
      %get3A_443 = tpu.vector_load %arg34[%get3A_442] {strides = array<i32>} : memref<13312xf32, #tpu.memory_space<vmem>>, vector<16xf32>,
      %get3A_444 = arith.constant 20 : i32
      %get3A_445 = arith.index_cast %get3A_444 : i32 to index
      %get3A_446 = arith.constant 0 : index
      %get3A_447 = tpu.vector_load %arg36[%get3A_445, %get3A_446] {strides = array<i32>} : memref<40x16xf32, #tpu.memory_space<vmem>>, vector<16xf32>,
      %mul3A_448 = arith.mulf %get3A_443, %get3A_447 : vector<16xf32>
      %add3A_449 = arith.addf %add3A_437, %mul3A_448 : vector<16xf32>
      %mul3A_450 = arith.constant 16 : i32
      %mul3A_451 = arith.muli %scan3A_194, %mul3A_450 : i32
      %add3A_452 = arith.constant 10752 : i32
      %add3A_453 = arith.addi %add3A_452, %mul3A_451 : i32
      %get3A_454 = arith.index_cast %add3A_453 : i32 to index
      %get3A_455 = tpu.vector_load %arg34[%get3A_454] {strides = array<i32>} : memref<13312xf32, #tpu.memory_space<vmem>>, vector<16xf32>,
      %get3A_456 = arith.constant 21 : i32
      %get3A_457 = arith.index_cast %get3A_456 : i32 to index
      %get3A_458 = arith.constant 0 : index
      %get3A_459 = tpu.vector_load %arg36[%get3A_457, %get3A_458] {strides = array<i32>} : memref<40x16xf32, #tpu.memory_space<vmem>>, vector<16xf32>,
      %mul3A_460 = arith.mulf %get3A_455, %get3A_459 : vector<16xf32>
      %add3A_461 = arith.addf %add3A_449, %mul3A_460 : vector<16xf32>
      %mul3A_462 = arith.constant 16 : i32
      %mul3A_463 = arith.muli %scan3A_194, %mul3A_462 : i32
      %add3A_464 = arith.constant 11264 : i32
      %add3A_465 = arith.addi %add3A_464, %mul3A_463 : i32
      %get3A_466 = arith.index_cast %add3A_465 : i32 to index
      %get3A_467 = tpu.vector_load %arg34[%get3A_466] {strides = array<i32>} : memref<13312xf32, #tpu.memory_space<vmem>>, vector<16xf32>,
      %get3A_468 = arith.constant 22 : i32
      %get3A_469 = arith.index_cast %get3A_468 : i32 to index
      %get3A_470 = arith.constant 0 : index
      %get3A_471 = tpu.vector_load %arg36[%get3A_469, %get3A_470] {strides = array<i32>} : memref<40x16xf32, #tpu.memory_space<vmem>>, vector<16xf32>,
      %mul3A_472 = arith.mulf %get3A_467, %get3A_471 : vector<16xf32>
      %add3A_473 = arith.addf %add3A_461, %mul3A_472 : vector<16xf32>
      %mul3A_474 = arith.constant 16 : i32
      %mul3A_475 = arith.muli %scan3A_194, %mul3A_474 : i32
      %add3A_476 = arith.constant 11776 : i32
      %add3A_477 = arith.addi %add3A_476, %mul3A_475 : i32
      %get3A_478 = arith.index_cast %add3A_477 : i32 to index
      %get3A_479 = tpu.vector_load %arg34[%get3A_478] {strides = array<i32>} : memref<13312xf32, #tpu.memory_space<vmem>>, vector<16xf32>,
      %get3A_480 = arith.constant 23 : i32
      %get3A_481 = arith.index_cast %get3A_480 : i32 to index
      %get3A_482 = arith.constant 0 : index
      %get3A_483 = tpu.vector_load %arg36[%get3A_481, %get3A_482] {strides = array<i32>} : memref<40x16xf32, #tpu.memory_space<vmem>>, vector<16xf32>,
      %mul3A_484 = arith.mulf %get3A_479, %get3A_483 : vector<16xf32>
      %add3A_485 = arith.addf %add3A_473, %mul3A_484 : vector<16xf32>
      %mul3A_486 = arith.constant 16 : i32
      %mul3A_487 = arith.muli %scan3A_194, %mul3A_486 : i32
      %add3A_488 = arith.constant 12288 : i32
      %add3A_489 = arith.addi %add3A_488, %mul3A_487 : i32
      %get3A_490 = arith.index_cast %add3A_489 : i32 to index
      %get3A_491 = tpu.vector_load %arg34[%get3A_490] {strides = array<i32>} : memref<13312xf32, #tpu.memory_space<vmem>>, vector<16xf32>,
      %get3A_492 = arith.constant 24 : i32
      %get3A_493 = arith.index_cast %get3A_492 : i32 to index
      %get3A_494 = arith.constant 0 : index
      %get3A_495 = tpu.vector_load %arg36[%get3A_493, %get3A_494] {strides = array<i32>} : memref<40x16xf32, #tpu.memory_space<vmem>>, vector<16xf32>,
      %mul3A_496 = arith.mulf %get3A_491, %get3A_495 : vector<16xf32>
      %add3A_497 = arith.addf %add3A_485, %mul3A_496 : vector<16xf32>
      %mul3A_498 = arith.constant 16 : i32
      %mul3A_499 = arith.muli %scan3A_194, %mul3A_498 : i32
      %add3A_500 = arith.constant 12800 : i32
      %add3A_501 = arith.addi %add3A_500, %mul3A_499 : i32
      %get3A_502 = arith.index_cast %add3A_501 : i32 to index
      %get3A_503 = tpu.vector_load %arg34[%get3A_502] {strides = array<i32>} : memref<13312xf32, #tpu.memory_space<vmem>>, vector<16xf32>,
      %get3A_504 = arith.constant 25 : i32
      %get3A_505 = arith.index_cast %get3A_504 : i32 to index
      %get3A_506 = arith.constant 0 : index
      %get3A_507 = tpu.vector_load %arg36[%get3A_505, %get3A_506] {strides = array<i32>} : memref<40x16xf32, #tpu.memory_space<vmem>>, vector<16xf32>,
      %mul3A_508 = arith.mulf %get3A_503, %get3A_507 : vector<16xf32>
      %add3A_509 = arith.addf %add3A_497, %mul3A_508 : vector<16xf32>
      %mul3A_510 = arith.constant 16 : i32
      %mul3A_511 = arith.muli %scan3A_194, %mul3A_510 : i32
      %swap3A = arith.index_cast %mul3A_511 : i32 to index
      %swap3A_512 = tpu.vector_load %arg37[%swap3A] {strides = array<i32>} : memref<512xf32, #tpu.memory_space<vmem>>, vector<16xf32>,
      tpu.vector_store %arg37[%swap3A], %add3A_509 {strides = array<i32>} : memref<512xf32, #tpu.memory_space<vmem>>, vector<16xf32>,
    }
    %scan3A_191 = arith.constant 32 : i32
    %mul3A_192 = arith.constant 512 : i32
    %mul3A_193 = arith.muli %add3A, %mul3A_192 : i32
    "tpu.region"() ({
      %run_scoped3A = tpu.sem_alloc : memref<!tpu.dma_semaphore, #tpu.memory_space<semaphore_mem>>
      %dma_start3A = tpu.memref_slice %arg31[%mul3A_193] : memref<16384xf32, #tpu.memory_space<hbm>> -> memref<512xf32, #tpu.memory_space<hbm>>
      %dma_start3A_194 = tpu.memref_slice %arg31[%mul3A_193] : memref<16384xf32, #tpu.memory_space<hbm>> -> memref<512xf32, #tpu.memory_space<hbm>>
      tpu.enqueue_dma source(%arg37 : memref<512xf32, #tpu.memory_space<vmem>>) target(%dma_start3A_194 : memref<512xf32, #tpu.memory_space<hbm>>) target_semaphore(%run_scoped3A : memref<!tpu.dma_semaphore, #tpu.memory_space<semaphore_mem>>)
      %dma_wait3A = tpu.memref_slice %arg31[%mul3A_193] : memref<16384xf32, #tpu.memory_space<hbm>> -> memref<512xf32, #tpu.memory_space<hbm>>
      %dma_wait3A_195 = tpu.memref_slice %arg31[%mul3A_193] : memref<16384xf32, #tpu.memory_space<hbm>> -> memref<512xf32, #tpu.memory_space<hbm>>
      tpu.wait_dma2 semaphore(%run_scoped3A : memref<!tpu.dma_semaphore, #tpu.memory_space<semaphore_mem>>) src(%arg37 : memref<512xf32, #tpu.memory_space<vmem>>) dst(%dma_wait3A_195 : memref<512xf32, #tpu.memory_space<hbm>>)
      tpu.yield
    }) : () -> ()
    return
  }
}

</mosaic_0001>

<sc_bundles>
// kernel: kernel.3.cloned.1.call-start
scs
__scs_entry_jumppad:
0x0: {  	(pc) =	sbr.rel $0x88, $3  }
0x1: {  	(tag) =	ssettag $0x0;
	lr =	simm.s32 $0x1  }
0x2: {  	[smem:$0x3F9C] =	sst lr;
	_ =	strace $0xD0000000  }
0x3: {  	_ = 	snop  }
0x4: {  	_ = 	snop  }
0x5: {  	_ = 	snop  }
0x6: {  	_ = 	snop  }
0x7: {  	_ = 	snop  }
__scs_overlays_trampoline_lowered:
0x8: {  	[smem:$0x3FAB] =	sst s0  }
0x9: {  	[smem:$0x3FAC] =	sst s1  }
0xa: {  	[smem:$0x3FAD] =	sst s2  }
0xb: {  	[smem:$0x3FAE] =	sst s3  }
0xc: {  	[smem:$0x3FAF] =	sst s4  }
0xd: {  	[smem:$0x3FB0] =	sst s5  }
0xe: {  	[smem:$0x3FB1] =	sst s6  }
0xf: {  	[smem:$0x3FB2] =	sst s7  }
0x10: {  	[smem:$0x3FB3] =	sst s8  }
0x11: {  	[smem:$0x3FB4] =	sst s9;
	s0 =	simm.s32 @!p0 $0x0  }
0x12: {  	s1 =	sld [smem:$0x3F9A];
	s0 =	simm.s32 @p0 $0x1  }
0x13: {  	[smem:$0x3FB5] =	sst s0;
	s0 =	simm.s32 @!p1 $0x0  }
0x14: {  	s2 =	sld [smem:$0x3F99];
	s0 =	simm.s32 @p1 $0x1  }
0x15: {  	[smem:$0x3FB6] =	sst s0;
	s0 =	simm.s32 @!p2 $0x0  }
0x16: {  	s3 =	sld [smem:$0x3FDB];
	s0 =	simm.s32 @p2 $0x1  }
0x17: {  	s4 =	simm.s32 $0x1BF5;
	[smem:$0x3FB8] =	sst s0  }
0x18: {  	s0 =	sld [smem:$0x3F9B];
	_ =	swait.ge [sflag:s4], $0x0  }
0x19: {  	s7 =	sld [smem:$0x3F9C]  }
0x1a: {  	s8 =	sadd.s32 $0xFFFFE003, lr  }
0x1b: {  	s9 =	sadd.s32 $0xFFFFFEF7, lr;
	s5 =	simm.s32 $0xFFFFFFFF;
	p2 =	slt.u32 s8, $0xFFFFF086  }
0x1c: {  	p1 =	slt.u32 s9, $0xF7A;
	s5 =	simm.s32 @!p2 $0x0  }
0x1d: {  	s5 =	simm.s32 @p1 $0x1;
	p0 =	seq.s32 s7, s2  }
0x1e: {  	s7 =	smul.u32 @!p0 $0xF7A, s2;
	p2 =	seq.s32 @!p0 s5, $0x0  }
0x1f: {  	s9 =	smul.u32 $0xF7A, s1;
	s8 =	simm.s32 @!p0 $0x1BF5;
	p2 =	por !p2, p0  }
0x20: {  	[sflag:s8] =	ssyncset.s32 @!p0 $0xFFFFF086;
	s6 =	sadd.s32 @!p0 s3, s7;
	s7 =	simm.s32 @!p0 $0x108  }
0x21: {  	s3 =	sadd.s32 s3, s9;
	s6 =	sadd.s32 @!p0 $0x88, s6;
	s7 =	simm.s32 @p2 $0x1082  }
0x22: {  	[simem:s7], [sflag:s8] =	dma.local @!p0 [hbm:s6], $0xF7A  }
0x23: {  	s9 =	sor.u32 $0xD0000000, s2;
	s6 =	simm.s32 $0x108;
	_ =	swait.ge @!p0 [sflag:s8], $0x0  }
0x24: {  	s3 =	sadd.s32 $0x88, s3;
	s6 =	simm.s32 @!p1 $0x1082;
	[sflag:s4] =	ssyncset.s32 $0xFFFFF086  }
0x25: {  	[simem:s6], [sflag:s4] =	dma.local [hbm:s3], $0xF7A  }
0x26: {  	[smem:$0x3F9C] =	sst s1;
	(tag) =	ssettag s2;
	_ =	strace s9  }
0x27: {  	s1 =	sld [smem:$0x3FAC]  }
0x28: {  	s2 =	sld [smem:$0x3FAD]  }
0x29: {  	s4 =	sld [smem:$0x3FAF]  }
0x2a: {  	p0 =	seq.s32 s5, $0x0;
	s5 =	sld [smem:$0x3FB0]  }
0x2b: {  	s6 =	sld [smem:$0x3FB1]  }
0x2c: {  	s7 =	sld [smem:$0x3FB2]  }
0x2d: {  	s3 =	simm.s32 $0x108;
	s8 =	sld [smem:$0x3FB3]  }
0x2e: {  	s3 =	simm.s32 @!p0 $0x1082;
	s9 =	sld [smem:$0x3FB4]  }
0x2f: {  	lr =	sadd.s32 s0, s3;
	s0 =	sld [smem:$0x3FAB]  }
0x30: {  	s3 =	sld [smem:$0x3FAE]  }
0x31: {  	[smem:$0x3FB7] =	sst s10  }
0x32: {  	s10 =	sld [smem:$0x3FB5];
	_ =	sdelay $0x3  }
0x33: {  	p0 =	seq.s32 s10, $0x1;
	s10 =	sld [smem:$0x3FB7];
	_ =	sdelay $0x3  }
0x34: {  	[smem:$0x3FB7] =	sst s10  }
0x35: {  	s10 =	sld [smem:$0x3FB6];
	_ =	sdelay $0x3  }
0x36: {  	p1 =	seq.s32 s10, $0x1;
	s10 =	sld [smem:$0x3FB7];
	_ =	sdelay $0x3  }
0x37: {  	[smem:$0x3FB7] =	sst s10  }
0x38: {  	s10 =	sld [smem:$0x3FB8]  }
0x39: {  	_ = 	snop;
	(pc) =	sbr.ind lr, $3  }
0x3a: {  	_ = 	snop  }
0x3b: {  	_ = 	snop  }
0x3c: {  	p2 =	seq.s32 s10, $0x1;
	s10 =	sld [smem:$0x3FB7]  }
0x3d: {  	_ =	shalt  }
0x3e: {  	_ =	shalt  }
0x3f: {  	_ =	shalt  }
0x40: {  	_ =	shalt  }
0x41: {  	_ =	shalt  }
0x42: {  	_ =	shalt  }
0x43: {  	_ =	shalt  }
0x44: {  	_ =	shalt  }
0x45: {  	_ =	shalt  }
0x46: {  	_ =	shalt  }
0x47: {  	_ =	shalt  }
0x48: {  	_ =	shalt  }
0x49: {  	_ =	shalt  }
0x4a: {  	_ =	shalt  }
0x4b: {  	_ =	shalt  }
0x4c: {  	_ =	shalt  }
0x4d: {  	_ =	shalt  }
0x4e: {  	_ =	shalt  }
0x4f: {  	_ =	shalt  }
0x50: {  	_ =	shalt  }
0x51: {  	_ =	shalt  }
0x52: {  	_ =	shalt  }
0x53: {  	_ =	shalt  }
0x54: {  	_ =	shalt  }
0x55: {  	_ =	shalt  }
0x56: {  	_ =	shalt  }
0x57: {  	_ =	shalt  }
0x58: {  	_ =	shalt  }
0x59: {  	_ =	shalt  }
0x5a: {  	_ =	shalt  }
0x5b: {  	_ =	shalt  }
0x5c: {  	_ =	shalt  }
0x5d: {  	_ =	shalt  }
0x5e: {  	_ =	shalt  }
0x5f: {  	_ =	shalt  }
0x60: {  	_ =	shalt  }
0x61: {  	_ =	shalt  }
0x62: {  	_ =	shalt  }
0x63: {  	_ =	shalt  }
0x64: {  	_ =	shalt  }
0x65: {  	_ =	shalt  }
0x66: {  	_ =	shalt  }
0x67: {  	_ =	shalt  }
0x68: {  	_ =	shalt  }
0x69: {  	_ =	shalt  }
0x6a: {  	_ =	shalt  }
0x6b: {  	_ =	shalt  }
0x6c: {  	_ =	shalt  }
0x6d: {  	_ =	shalt  }
0x6e: {  	_ =	shalt  }
0x6f: {  	_ =	shalt  }
0x70: {  	_ =	shalt  }
0x71: {  	_ =	shalt  }
0x72: {  	_ =	shalt  }
0x73: {  	_ =	shalt  }
0x74: {  	_ =	shalt  }
0x75: {  	_ =	shalt  }
0x76: {  	_ =	shalt  }
0x77: {  	_ =	shalt  }
0x78: {  	_ =	shalt  }
0x79: {  	_ =	shalt  }
0x7a: {  	_ =	shalt  }
0x7b: {  	_ =	shalt  }
0x7c: {  	_ =	shalt  }
0x7d: {  	_ =	shalt  }
0x7e: {  	_ =	shalt  }
0x7f: {  	_ =	shalt  }
0x80: {  	_ =	shalt  }
0x81: {  	_ =	shalt  }
0x82: {  	_ =	shalt  }
0x83: {  	_ =	shalt  }
0x84: {  	_ =	shalt  }
0x85: {  	_ =	shalt  }
0x86: {  	_ =	shalt  }
0x87: {  	_ =	shalt  }
.Lfunc_end0:
.L_simem_size_0:
called_computation_lowered:
.L_overlay_start_0:
0x88: {  	s2 =	sld [smem:$0x3FD9]  }
0x89: {  	s3 =	sld [smem:$0x3FFE];
	_ =	sdelay $0x1  }
0x8a: {  	s1 =	srdreg.scid  }
0x8b: {  	s0 =	sand.u32 $0x1, s1  }
0x8c: {  	s17 =	sshll.u32 s0, $0xA;
	s2 =	sadd.s32 s3, s2  }
0x8d: {  	s2 =	sadd.s32 s2, s17  }
0x8e: {  	[smem:$0x3FC3] =	sst s2  }
0x8f: {  	_ = 	snop  }
0x90: {  	s2 =	sld [smem:$0x3FD0];
	(tm) =	ssettm $0x1  }
0x91: {  	s18 =	sld [smem:$0x3FFB];
	_ =	sdelay $0x3  }
0x92: {  	_ =	strace s18  }
0x93: {  	s3 =	sld [smem:$0x3FFC];
	_ =	sdelay $0x3  }
0x94: {  	_ =	strace s3  }
0x95: {  	s3 =	sld [smem:$0x3FFD];
	_ =	sdelay $0x3  }
0x96: {  	_ =	strace s3  }
0x97: {  	_ =	strace $0x8FFFFFFF  }
0x98: {  	s19 =	sld [smem:$0x3FDB];
	_ =	sdelay $0x1  }
0x99: {  	s4 =	simm.s32 $_scs_section_size  }
0x9a: {  	s5 =	simm.s32 $_size__tile_overlayer_lowered;
	s6 =	simm.s32 $_tile_overlayer_lowered  }
0x9b: {  	s22 =	simm.s32 $0x1BFF;
	s21 =	sshll.u32 s6, $0x1;
	s3 =	sadd.s32 s4, s19  }
0x9c: {  	s7 =	simm.s32 $0x0;
	s20 =	sshll.u32 s5, $0x1;
	s5 =	sadd.s32 s21, s3  }
0x9d: {  	[timem:s7], [sflag:s22] =	dma.local [hbm:s5], s20  }
0x9e: {  	_ =	swait.ge [sflag:s22], s20  }
0x9f: {  	s4 =	ssub.s32 $0x0, s20;
	[sflag:s22] =	ssyncset.done $0x0  }
0xa0: {  	[sflag:s22] =	ssyncadd.s32 s4;
	_ =	sdelay $0x1  }
0xa1: {  	s23 =	simm.s32 $0x1B8B  }
0xa2: {  	_ =	swait.ge [sflag:s23], $0x1  }
0xa3: {  	[sflag:s23] =	ssyncset.done $0x0  }
0xa4: {  	s25 =	simm.s32 $0x1B8E;
	s24 =	sld [smem:$0x3FFE];
	[sflag:s23] =	ssyncadd.s32 $0xFFFFFFFF  }
0xa5: {  	s26 =	simm.s32 $execute0_lowered;
	[smem:$0x3FD2] =	sst s25  }
0xa6: {  	s5 =	sshll.u32 s26, $0x1;
	_ =	strace $0x80000046;
	[dreg:$0x1] =	wrdreg $0xFFFFFFFF  }
0xa7: {  	s28 =	simm.s32 $_size_execute0_lowered;
	s3 =	sadd.s32 s3, s5;
	[dreg:$0x0] =	wrdreg $0x0  }
0xa8: {  	s5 =	sshll.u32 s28, $0x1;
	[dreg:$0x2] =	wrdreg s3  }
0xa9: {  	[dreg:$0x3] =	wrdreg s5  }
0xaa: {  	[dreg:$0x4] =	wrdreg $0xC0  }
0xab: {  	_ =	task [dreg:s7], $0x5FFFF  }
0xac: {  	[dreg:$0x1] =	wrdreg $0xFFFFFFFF  }
0xad: {  	[dreg:$0x0] =	wrdreg $0x60  }
0xae: {  	[dreg:$0x2] =	wrdreg s24  }
0xaf: {  	[dreg:$0x3] =	wrdreg s2  }
0xb0: {  	[dreg:$0x4] =	wrdreg $0x9  }
0xb1: {  	_ =	task.clear_ibuf [dreg:s7], $0x5FFFF;
	_ =	strace $0x90000046  }
0xb2: {  	s29 =	simm.s32 $0x9;
	_ =	strace $0x80000048  }
0xb3: {  	_ =	swait.ge [sflag:s29], $0x1  }
0xb4: {  	[sflag:s29] =	ssyncadd.s32 $0xFFFFFFFF  }
0xb5: {  	_ =	strace $0x90000048  }
0xb6: {  	_ =	sfence  }
0xb7: {  	s30 =	sld [smem:$0x0];
	_ =	sdelay $0x2  }
0xb8: {  	s31 =	sshll.u32 s1, $0xD;
	s1 =	sshrl.u32 s1, $0x2  }
0xb9: {  	s3 =	sand.u32 $0x4000, s31;
	s1 =	sadd.s32 s1, s30  }
0xba: {  	s0 =	sor.u32 s3, s0;
	s1 =	sshll.u32 s1, $0x11  }
0xbb: {  	s0 =	sor.u32 s1, s0  }
0xbc: {  	s0 =	sadd.s32 $0x8F2B, s0  }
0xbd: {  	[sflag:s0] =	ssyncadd.remote.s32 $0x1  }
0xbe: {  	_ =	sfence.sel $0xFFFF  }
0xbf: {  	[dreg:$0x0] =	wrdreg $0xFFFFFFFF;
	(pc) =	sbr.abs _section_cstart, $3  }
0xc0: {  	[dreg:$0x1] =	wrdreg $0xFFFFFFFF  }
0xc1: {  	_ =	task.clear_ibuf [dreg:s7], $0x2FFFF;
	_ =	strace $0x9FFFFFFF  }
0xc2: {  	(tm) =	ssettm $0x7FFFFFFF  }
0xc3: {  	_ =	shalt  }
tec
execute0_lowered:
.L_overlay_start_1:
0x0: {  	(tag) =	ssettag $0x1  }
0x1: {  	s7 =	rddreg [dreg:$0x0];
	s2 =	simm.s32 $0x0  }
0x2: {  	[smem:$0x7FF] =	sst s2;
	s1 =	sadd.s32 $0x1EA00, s7;
	s15 =	sadd.s32 $0x18E200, s7  }
0x3: {  	s0 =	rddreg [dreg:$0x1];
	s16 =	sadd.s32 $0x16F800, s7;
	s17 =	sadd.s32 $0x150E00, s7  }
0x4: {  	s20 =	srdreg.scid;
	s18 =	sadd.s32 $0x132400, s7;
	s19 =	sadd.s32 $0x113A00, s7  }
0x5: {  	s3 =	stileid.u32;
	s9 =	sadd.s32 $0x245E00, s7;
	s10 =	sadd.s32 $0x227400, s7  }
0x6: {  	s11 =	sadd.s32 $0x208A00, s7;
	s12 =	sadd.s32 $0xF5000, s7;
	s14 =	sadd.s32 $0x1EA000, s7  }
0x7: {  	s3 =	sshll.u32 s3, $0x1;
	_ =	strace $0x80000047;
	[dreg:$0x3] =	wrdreg s1  }
0x8: {  	s22 =	sadd.s32 $0x283200, s7;
	s26 =	sadd.s32 $0x264800, s7;
	[dreg:$0x4] =	wrdreg s15  }
0x9: {  	s28 =	sadd.s32 $0xD6600, s7;
	s29 =	sadd.s32 $0xB7C00, s7;
	[dreg:$0x5] =	wrdreg s16  }
0xa: {  	s30 =	sadd.s32 $0x99200, s7;
	s31 =	sadd.s32 $0x7A800, s7;
	[dreg:$0x6] =	wrdreg s17  }
0xb: {  	s13 =	sadd.s32 $0x3D400, s7;
	s25 =	sadd.s32 $0x32FC00, s7;
	[dreg:$0x7] =	wrdreg s18  }
0xc: {  	[dreg:$0x8] =	wrdreg s19;
	s15 =	sadd.s32 $0x1CB600, s7;
	s16 =	sadd.s32 $0x1ACC00, s7  }
0xd: {  	s17 =	sadd.s32 $0x2FDA00, s7;
	s1 =	sand.u32 $0x1, s20;
	s18 =	sadd.s32 $0x2DF000, s7  }
0xe: {  	s19 =	sadd.s32 $0x2C0600, s7;
	s20 =	sadd.s32 $0x2A1C00, s7;
	s3 =	sor.u32 s1, s3  }
0xf: {  	[dreg:$0xd] =	wrdreg s25;
	s1 =	ssub.s32 $0x2, s1;
	s4 =	smul.u32 $0x680, s3  }
0x10: {  	s5 =	sshrl.u32 s1, $0x1;
	s6 =	smul.u32 $0x340, s3;
	s3 =	sshll.u32 s3, $0x6  }
0x11: {  	s25 =	simm.s32 $0x9C00;
	s1 =	ssub.s32 s1, s5;
	s0 =	sadd.s32 s0, s3  }
0x12: {  	s4 =	sadd.s32 s4, s7;
	[dreg:$0x9] =	wrdreg s0;
	s24 =	smax.u32 s1, $0x1  }
0x13: {  	s21 =	sadd.s32 s6, s7;
	s23 =	sadd.s32 $0x31C400, s4;
	[dreg:$0xc] =	wrdreg s24  }
0x14: {  	v1 =	vlaneseq.u32;
	s1 =	simm.s32 $0x0;
	s0 =	sadd.s32 $0x329400, s21;
	[dreg:$0xa] =	wrdreg s23  }
0x15: {  	v0 =	vmul.u32 $0x1A, v1;
	v1 =	vmul.u32 $0xD, v1;
	s24 =	simm.s32 $0x80;
	s21 =	simm.s32 $0x1;
	[dreg:$0xb] =	wrdreg s0  }
0x16: {  	s0 =	sadd.s32 $0x5BE00, s7;
	s23 =	simm.s32 $0x2;
	s7 =	simm.s32 $0x3400  }
.LBB2_1:
0x17: {  	s3 =	simm.s32 $0x0  }
0x18: {  	s8 =	rddreg [dreg:$0xa];
	v2 =	vadd.s32 s3, v0  }
0x19: {  	[tilespmem:s2], [sflag:$0x2] =	stream.linear.gather [hbm4b:s8+s2], $0x3400, $0x38;
	[tilespmem:$0xCC00] =	vst v63  }
0x1a: {  	_ =	swait.ge [sflag:s23], $0x3400  }
0x1b: {  	[sflag:s23] =	ssyncset.done $0x0  }
0x1c: {  	[sflag:s23] =	ssyncadd.s32 $0xFFFFCC00  }
0x1d: {  	s4 =	simm.s32 $0x1;
	v2 =	vld.idx.msk [tilespmem:v2+s2+$0x0], $0xffff  }
0x1e: {  	v3 =	vadd.s32 s4, v0;
	_ =	sdelay $0x3  }
0x1f: {  	[tilespmem:s7+$0x0] =	vst v2  }
0x20: {  	s5 =	simm.s32 $0x2;
	v2 =	vld.idx.msk [tilespmem:v3+s2+$0x0], $0xffff  }
0x21: {  	v3 =	vadd.s32 s5, v0;
	_ =	sdelay $0x2  }
0x22: {  	s4 =	sand.u32 $0x1F0, s2  }
0x23: {  	[tilespmem:s4+$0x3600] =	vst v2  }
0x24: {  	s6 =	simm.s32 $0x3;
	v2 =	vld.idx.msk [tilespmem:v3+s2+$0x0], $0xffff  }
0x25: {  	v3 =	vadd.s32 s6, v0;
	_ =	sdelay $0x3  }
0x26: {  	[tilespmem:s4+$0x3800] =	vst v2  }
0x27: {  	s7 =	simm.s32 $0x4;
	v2 =	vld.idx.msk [tilespmem:v3+s2+$0x0], $0xffff  }
0x28: {  	v3 =	vadd.s32 s7, v0;
	_ =	sdelay $0x3  }
0x29: {  	[tilespmem:s4+$0x3A00] =	vst v2  }
0x2a: {  	s8 =	simm.s32 $0x5;
	v2 =	vld.idx.msk [tilespmem:v3+s2+$0x0], $0xffff  }
0x2b: {  	v3 =	vadd.s32 s8, v0;
	_ =	sdelay $0x3  }
0x2c: {  	[tilespmem:s4+$0x3C00] =	vst v2  }
0x2d: {  	s5 =	simm.s32 $0x6;
	v2 =	vld.idx.msk [tilespmem:v3+s2+$0x0], $0xffff  }
0x2e: {  	v3 =	vadd.s32 s5, v0;
	_ =	sdelay $0x3  }
0x2f: {  	[tilespmem:s4+$0x3E00] =	vst v2  }
0x30: {  	s6 =	simm.s32 $0x7;
	v2 =	vld.idx.msk [tilespmem:v3+s2+$0x0], $0xffff  }
0x31: {  	v3 =	vadd.s32 s6, v0;
	_ =	sdelay $0x3  }
0x32: {  	[tilespmem:s4+$0x4000] =	vst v2  }
0x33: {  	s7 =	simm.s32 $0x8;
	v2 =	vld.idx.msk [tilespmem:v3+s2+$0x0], $0xffff  }
0x34: {  	v3 =	vadd.s32 s7, v0;
	_ =	sdelay $0x3  }
0x35: {  	[tilespmem:s4+$0x4200] =	vst v2  }
0x36: {  	s8 =	simm.s32 $0x9;
	v2 =	vld.idx.msk [tilespmem:v3+s2+$0x0], $0xffff  }
0x37: {  	v3 =	vadd.s32 s8, v0;
	_ =	sdelay $0x3  }
0x38: {  	[tilespmem:s4+$0x4400] =	vst v2  }
0x39: {  	s5 =	simm.s32 $0xA;
	v2 =	vld.idx.msk [tilespmem:v3+s2+$0x0], $0xffff  }
0x3a: {  	v3 =	vadd.s32 s5, v0;
	_ =	sdelay $0x3  }
0x3b: {  	[tilespmem:s4+$0x4600] =	vst v2  }
0x3c: {  	s6 =	simm.s32 $0xB;
	v2 =	vld.idx.msk [tilespmem:v3+s2+$0x0], $0xffff  }
0x3d: {  	v3 =	vadd.s32 s6, v0;
	_ =	sdelay $0x3  }
0x3e: {  	[tilespmem:s4+$0x4800] =	vst v2  }
0x3f: {  	s7 =	simm.s32 $0xC;
	v2 =	vld.idx.msk [tilespmem:v3+s2+$0x0], $0xffff  }
0x40: {  	v3 =	vadd.s32 s7, v0;
	_ =	sdelay $0x3  }
0x41: {  	[tilespmem:s4+$0x4A00] =	vst v2  }
0x42: {  	s8 =	simm.s32 $0xD;
	v2 =	vld.idx.msk [tilespmem:v3+s2+$0x0], $0xffff  }
0x43: {  	v3 =	vadd.s32 s8, v0;
	_ =	sdelay $0x3  }
0x44: {  	[tilespmem:s4+$0x4C00] =	vst v2  }
0x45: {  	s5 =	simm.s32 $0xE;
	v2 =	vld.idx.msk [tilespmem:v3+s2+$0x0], $0xffff  }
0x46: {  	v3 =	vadd.s32 s5, v0;
	_ =	sdelay $0x3  }
0x47: {  	[tilespmem:s4+$0x4E00] =	vst v2  }
0x48: {  	s6 =	simm.s32 $0xF;
	v2 =	vld.idx.msk [tilespmem:v3+s2+$0x0], $0xffff  }
0x49: {  	v3 =	vadd.s32 s6, v0;
	_ =	sdelay $0x3  }
0x4a: {  	[tilespmem:s4+$0x5000] =	vst v2  }
0x4b: {  	s7 =	simm.s32 $0x10;
	v2 =	vld.idx.msk [tilespmem:v3+s2+$0x0], $0xffff  }
0x4c: {  	v3 =	vadd.s32 s7, v0;
	_ =	sdelay $0x3  }
0x4d: {  	[tilespmem:s4+$0x5200] =	vst v2  }
0x4e: {  	s8 =	simm.s32 $0x11;
	v2 =	vld.idx.msk [tilespmem:v3+s2+$0x0], $0xffff  }
0x4f: {  	v3 =	vadd.s32 s8, v0;
	_ =	sdelay $0x3  }
0x50: {  	[tilespmem:s4+$0x5400] =	vst v2  }
0x51: {  	s5 =	simm.s32 $0x12;
	v2 =	vld.idx.msk [tilespmem:v3+s2+$0x0], $0xffff  }
0x52: {  	v3 =	vadd.s32 s5, v0;
	_ =	sdelay $0x3  }
0x53: {  	[tilespmem:s4+$0x5600] =	vst v2  }
0x54: {  	s6 =	simm.s32 $0x13;
	v2 =	vld.idx.msk [tilespmem:v3+s2+$0x0], $0xffff  }
0x55: {  	v3 =	vadd.s32 s6, v0;
	_ =	sdelay $0x3  }
0x56: {  	[tilespmem:s4+$0x5800] =	vst v2  }
0x57: {  	s7 =	simm.s32 $0x14;
	v2 =	vld.idx.msk [tilespmem:v3+s2+$0x0], $0xffff  }
0x58: {  	v3 =	vadd.s32 s7, v0;
	_ =	sdelay $0x3  }
0x59: {  	[tilespmem:s4+$0x5A00] =	vst v2  }
0x5a: {  	s8 =	simm.s32 $0x15;
	v2 =	vld.idx.msk [tilespmem:v3+s2+$0x0], $0xffff  }
0x5b: {  	v3 =	vadd.s32 s8, v0;
	_ =	sdelay $0x3  }
0x5c: {  	[tilespmem:s4+$0x5C00] =	vst v2  }
0x5d: {  	s5 =	simm.s32 $0x16;
	v2 =	vld.idx.msk [tilespmem:v3+s2+$0x0], $0xffff  }
0x5e: {  	v3 =	vadd.s32 s5, v0;
	_ =	sdelay $0x3  }
0x5f: {  	[tilespmem:s4+$0x5E00] =	vst v2  }
0x60: {  	s6 =	simm.s32 $0x17;
	v2 =	vld.idx.msk [tilespmem:v3+s2+$0x0], $0xffff  }
0x61: {  	v3 =	vadd.s32 s6, v0;
	_ =	sdelay $0x3  }
0x62: {  	[tilespmem:s4+$0x6000] =	vst v2  }
0x63: {  	s7 =	simm.s32 $0x18;
	v2 =	vld.idx.msk [tilespmem:v3+s2+$0x0], $0xffff  }
0x64: {  	v3 =	vadd.s32 s7, v0;
	_ =	sdelay $0x3  }
0x65: {  	[tilespmem:s4+$0x6200] =	vst v2  }
0x66: {  	s8 =	simm.s32 $0x19;
	v2 =	vld.idx.msk [tilespmem:v3+s2+$0x0], $0xffff  }
0x67: {  	v3 =	vadd.s32 s8, v0;
	_ =	sdelay $0x3  }
0x68: {  	s3 =	simm.s32 $0x1B9;
	s5 =	simm.s32 $0x0;
	[tilespmem:s4+$0x6400] =	vst v2  }
0x69: {  	s6 =	simm.s32 $0x3400;
	s7 =	simm.s32 $0x359;
	s8 =	simm.s32 $0x1A0;
	v2 =	vld.idx.msk [tilespmem:v3+s2+$0x0], $0xffff  }
.LBB2_2:
0x6a: {  	p0 =	sne.s32 s7, $0x3279;
	v3 =	vadd.s32 s8, v0;
	_ =	sdelay $0x3  }
0x6b: {  	[tilespmem:s4+$0x6600] =	vst v2  }
0x6c: {  	v2 =	vld.idx.msk [tilespmem:v3+s2+$0x0], $0xffff  }
0x6d: {  	s4 =	sadd.s32 $0xFFFFFFE8, s3  }
0x6e: {  	v3 =	vadd.s32 s4, v0;
	_ =	sdelay $0x2  }
0x6f: {  	s6 =	sadd.s32 $0x10, s6  }
0x70: {  	[tilespmem:s6+$0x0] =	vst v2  }
0x71: {  	v2 =	vld.idx.msk [tilespmem:v3+s2+$0x0], $0xffff  }
0x72: {  	s4 =	sadd.s32 $0xFFFFFFE9, s3  }
0x73: {  	v3 =	vadd.s32 s4, v0;
	_ =	sdelay $0x1  }
0x74: {  	s5 =	sadd.s32 $0x10, s5  }
0x75: {  	s4 =	sand.u32 $0x1F0, s5  }
0x76: {  	[tilespmem:s4+$0x3600] =	vst v2  }
0x77: {  	v2 =	vld.idx.msk [tilespmem:v3+s2+$0x0], $0xffff  }
0x78: {  	s8 =	sadd.s32 $0xFFFFFFEA, s3  }
0x79: {  	v3 =	vadd.s32 s8, v0;
	_ =	sdelay $0x3  }
0x7a: {  	[tilespmem:s4+$0x3800] =	vst v2  }
0x7b: {  	v2 =	vld.idx.msk [tilespmem:v3+s2+$0x0], $0xffff  }
0x7c: {  	s8 =	sadd.s32 $0xFFFFFFEB, s3  }
0x7d: {  	v3 =	vadd.s32 s8, v0;
	_ =	sdelay $0x3  }
0x7e: {  	[tilespmem:s4+$0x3A00] =	vst v2  }
0x7f: {  	v2 =	vld.idx.msk [tilespmem:v3+s2+$0x0], $0xffff  }
0x80: {  	s8 =	sadd.s32 $0xFFFFFFEC, s3  }
0x81: {  	v3 =	vadd.s32 s8, v0;
	_ =	sdelay $0x3  }
0x82: {  	[tilespmem:s4+$0x3C00] =	vst v2  }
0x83: {  	v2 =	vld.idx.msk [tilespmem:v3+s2+$0x0], $0xffff  }
0x84: {  	s8 =	sadd.s32 $0xFFFFFFED, s3  }
0x85: {  	v3 =	vadd.s32 s8, v0;
	_ =	sdelay $0x3  }
0x86: {  	[tilespmem:s4+$0x3E00] =	vst v2  }
0x87: {  	v2 =	vld.idx.msk [tilespmem:v3+s2+$0x0], $0xffff  }
0x88: {  	s8 =	sadd.s32 $0xFFFFFFEE, s3  }
0x89: {  	v3 =	vadd.s32 s8, v0;
	_ =	sdelay $0x3  }
0x8a: {  	[tilespmem:s4+$0x4000] =	vst v2  }
0x8b: {  	v2 =	vld.idx.msk [tilespmem:v3+s2+$0x0], $0xffff  }
0x8c: {  	s8 =	sadd.s32 $0xFFFFFFEF, s3  }
0x8d: {  	v3 =	vadd.s32 s8, v0;
	_ =	sdelay $0x3  }
0x8e: {  	[tilespmem:s4+$0x4200] =	vst v2  }
0x8f: {  	v2 =	vld.idx.msk [tilespmem:v3+s2+$0x0], $0xffff  }
0x90: {  	s8 =	sadd.s32 $0xFFFFFFF0, s3  }
0x91: {  	v3 =	vadd.s32 s8, v0;
	_ =	sdelay $0x3  }
0x92: {  	[tilespmem:s4+$0x4400] =	vst v2  }
0x93: {  	v2 =	vld.idx.msk [tilespmem:v3+s2+$0x0], $0xffff  }
0x94: {  	s8 =	sadd.s32 $0xFFFFFFF1, s3  }
0x95: {  	v3 =	vadd.s32 s8, v0;
	_ =	sdelay $0x3  }
0x96: {  	[tilespmem:s4+$0x4600] =	vst v2  }
0x97: {  	v2 =	vld.idx.msk [tilespmem:v3+s2+$0x0], $0xffff  }
0x98: {  	s8 =	sadd.s32 $0xFFFFFFF2, s3  }
0x99: {  	v3 =	vadd.s32 s8, v0;
	_ =	sdelay $0x3  }
0x9a: {  	[tilespmem:s4+$0x4800] =	vst v2  }
0x9b: {  	v2 =	vld.idx.msk [tilespmem:v3+s2+$0x0], $0xffff  }
0x9c: {  	s8 =	sadd.s32 $0xFFFFFFF3, s3  }
0x9d: {  	v3 =	vadd.s32 s8, v0;
	_ =	sdelay $0x3  }
0x9e: {  	[tilespmem:s4+$0x4A00] =	vst v2  }
0x9f: {  	v2 =	vld.idx.msk [tilespmem:v3+s2+$0x0], $0xffff  }
0xa0: {  	s8 =	sadd.s32 $0xFFFFFFF4, s3  }
0xa1: {  	v3 =	vadd.s32 s8, v0;
	_ =	sdelay $0x3  }
0xa2: {  	[tilespmem:s4+$0x4C00] =	vst v2  }
0xa3: {  	v2 =	vld.idx.msk [tilespmem:v3+s2+$0x0], $0xffff  }
0xa4: {  	s8 =	sadd.s32 $0xFFFFFFF5, s3  }
0xa5: {  	v3 =	vadd.s32 s8, v0;
	_ =	sdelay $0x3  }
0xa6: {  	[tilespmem:s4+$0x4E00] =	vst v2  }
0xa7: {  	v2 =	vld.idx.msk [tilespmem:v3+s2+$0x0], $0xffff  }
0xa8: {  	s8 =	sadd.s32 $0xFFFFFFF6, s3  }
0xa9: {  	v3 =	vadd.s32 s8, v0;
	_ =	sdelay $0x3  }
0xaa: {  	[tilespmem:s4+$0x5000] =	vst v2  }
0xab: {  	v2 =	vld.idx.msk [tilespmem:v3+s2+$0x0], $0xffff  }
0xac: {  	s8 =	sadd.s32 $0xFFFFFFF7, s3  }
0xad: {  	v3 =	vadd.s32 s8, v0;
	_ =	sdelay $0x3  }
0xae: {  	[tilespmem:s4+$0x5200] =	vst v2  }
0xaf: {  	v2 =	vld.idx.msk [tilespmem:v3+s2+$0x0], $0xffff  }
0xb0: {  	s8 =	sadd.s32 $0xFFFFFFF8, s3  }
0xb1: {  	v3 =	vadd.s32 s8, v0;
	_ =	sdelay $0x3  }
0xb2: {  	[tilespmem:s4+$0x5400] =	vst v2  }
0xb3: {  	v2 =	vld.idx.msk [tilespmem:v3+s2+$0x0], $0xffff  }
0xb4: {  	s8 =	sadd.s32 $0xFFFFFFF9, s3  }
0xb5: {  	v3 =	vadd.s32 s8, v0;
	_ =	sdelay $0x3  }
0xb6: {  	[tilespmem:s4+$0x5600] =	vst v2  }
0xb7: {  	v2 =	vld.idx.msk [tilespmem:v3+s2+$0x0], $0xffff  }
0xb8: {  	s8 =	sadd.s32 $0xFFFFFFFA, s3  }
0xb9: {  	v3 =	vadd.s32 s8, v0;
	_ =	sdelay $0x3  }
0xba: {  	[tilespmem:s4+$0x5800] =	vst v2  }
0xbb: {  	v2 =	vld.idx.msk [tilespmem:v3+s2+$0x0], $0xffff  }
0xbc: {  	s8 =	sadd.s32 $0xFFFFFFFB, s3  }
0xbd: {  	v3 =	vadd.s32 s8, v0;
	_ =	sdelay $0x3  }
0xbe: {  	[tilespmem:s4+$0x5A00] =	vst v2  }
0xbf: {  	v2 =	vld.idx.msk [tilespmem:v3+s2+$0x0], $0xffff  }
0xc0: {  	s8 =	sadd.s32 $0xFFFFFFFC, s3  }
0xc1: {  	v3 =	vadd.s32 s8, v0;
	_ =	sdelay $0x3  }
0xc2: {  	[tilespmem:s4+$0x5C00] =	vst v2  }
0xc3: {  	v2 =	vld.idx.msk [tilespmem:v3+s2+$0x0], $0xffff  }
0xc4: {  	s8 =	sadd.s32 $0xFFFFFFFD, s3  }
0xc5: {  	v3 =	vadd.s32 s8, v0;
	_ =	sdelay $0x3  }
0xc6: {  	[tilespmem:s4+$0x5E00] =	vst v2  }
0xc7: {  	v2 =	vld.idx.msk [tilespmem:v3+s2+$0x0], $0xffff  }
0xc8: {  	s8 =	sadd.s32 $0xFFFFFFFE, s3  }
0xc9: {  	v3 =	vadd.s32 s8, v0;
	_ =	sdelay $0x3  }
0xca: {  	[tilespmem:s4+$0x6000] =	vst v2  }
0xcb: {  	v2 =	vld.idx.msk [tilespmem:v3+s2+$0x0], $0xffff  }
0xcc: {  	s8 =	sadd.s32 $0xFFFFFFFF, s3  }
0xcd: {  	v3 =	vadd.s32 s8, v0;
	_ =	sdelay $0x3  }
0xce: {  	[tilespmem:s4+$0x6200] =	vst v2  }
0xcf: {  	v2 =	vld.idx.msk [tilespmem:v3+s2+$0x0], $0xffff;
	_ =	sdelay $0x1  }
0xd0: {  	v3 =	vadd.s32 s3, v0;
	s3 =	smov.u32 s7;
	_ =	sdelay $0x1  }
.Ltmp0:
0xd1: {  	(pc) =	sbr.rel @p0 .LBB2_2-.Ltmp0, $4  }
0xd2: {  	_ = 	snop  }
0xd3: {  	[tilespmem:s4+$0x6400] =	vst v2  }
0xd4: {  	v2 =	vld.idx.msk [tilespmem:v3+s2+$0x0], $0xffff  }
0xd5: {  	s7 =	sadd.s32 $0x1A0, s7;
	s8 =	sadd.s32 $0xFFFFFFE7, s3  }
0xd6: {  	v3 =	vadd.s32 s8, v0;
	_ =	sdelay $0x3  }
0xd7: {  	[tilespmem:s4+$0x6600] =	vst v2  }
0xd8: {  	s7 =	sadd.s32 $0xFFFFFFE8, s3;
	v2 =	vld.idx.msk [tilespmem:v3+s2+$0x0], $0xffff  }
0xd9: {  	v3 =	vadd.s32 s7, v0;
	_ =	sdelay $0x2  }
0xda: {  	s8 =	sadd.s32 $0x10, s6  }
0xdb: {  	[tilespmem:s8+$0x0] =	vst v2  }
0xdc: {  	s6 =	sadd.s32 $0xFFFFFFE9, s3;
	v2 =	vld.idx.msk [tilespmem:v3+s2+$0x0], $0xffff  }
0xdd: {  	v3 =	vadd.s32 s6, v0;
	_ =	sdelay $0x1  }
0xde: {  	s7 =	sadd.s32 $0x10, s5  }
0xdf: {  	s4 =	sand.u32 $0x1F0, s7  }
0xe0: {  	[tilespmem:s4+$0x3600] =	vst v2  }
0xe1: {  	s8 =	sadd.s32 $0xFFFFFFEA, s3;
	v2 =	vld.idx.msk [tilespmem:v3+s2+$0x0], $0xffff  }
0xe2: {  	v3 =	vadd.s32 s8, v0;
	_ =	sdelay $0x3  }
0xe3: {  	[tilespmem:s4+$0x3800] =	vst v2  }
0xe4: {  	s6 =	sadd.s32 $0xFFFFFFEB, s3;
	v2 =	vld.idx.msk [tilespmem:v3+s2+$0x0], $0xffff  }
0xe5: {  	v3 =	vadd.s32 s6, v0;
	_ =	sdelay $0x3  }
0xe6: {  	[tilespmem:s4+$0x3A00] =	vst v2  }
0xe7: {  	s7 =	sadd.s32 $0xFFFFFFEC, s3;
	v2 =	vld.idx.msk [tilespmem:v3+s2+$0x0], $0xffff  }
0xe8: {  	v3 =	vadd.s32 s7, v0;
	_ =	sdelay $0x3  }
0xe9: {  	[tilespmem:s4+$0x3C00] =	vst v2  }
0xea: {  	s8 =	sadd.s32 $0xFFFFFFED, s3;
	v2 =	vld.idx.msk [tilespmem:v3+s2+$0x0], $0xffff  }
0xeb: {  	v3 =	vadd.s32 s8, v0;
	_ =	sdelay $0x3  }
0xec: {  	[tilespmem:s4+$0x3E00] =	vst v2  }
0xed: {  	s6 =	sadd.s32 $0xFFFFFFEE, s3;
	v2 =	vld.idx.msk [tilespmem:v3+s2+$0x0], $0xffff  }
0xee: {  	v3 =	vadd.s32 s6, v0;
	_ =	sdelay $0x3  }
0xef: {  	[tilespmem:s4+$0x4000] =	vst v2  }
0xf0: {  	s7 =	sadd.s32 $0xFFFFFFEF, s3;
	v2 =	vld.idx.msk [tilespmem:v3+s2+$0x0], $0xffff  }
0xf1: {  	v3 =	vadd.s32 s7, v0;
	_ =	sdelay $0x3  }
0xf2: {  	[tilespmem:s4+$0x4200] =	vst v2  }
0xf3: {  	s8 =	sadd.s32 $0xFFFFFFF0, s3;
	v2 =	vld.idx.msk [tilespmem:v3+s2+$0x0], $0xffff  }
0xf4: {  	v3 =	vadd.s32 s8, v0;
	_ =	sdelay $0x3  }
0xf5: {  	[tilespmem:s4+$0x4400] =	vst v2  }
0xf6: {  	s6 =	sadd.s32 $0xFFFFFFF1, s3;
	v2 =	vld.idx.msk [tilespmem:v3+s2+$0x0], $0xffff  }
0xf7: {  	v3 =	vadd.s32 s6, v0;
	_ =	sdelay $0x3  }
0xf8: {  	[tilespmem:s4+$0x4600] =	vst v2  }
0xf9: {  	s7 =	sadd.s32 $0xFFFFFFF2, s3;
	v2 =	vld.idx.msk [tilespmem:v3+s2+$0x0], $0xffff  }
0xfa: {  	v3 =	vadd.s32 s7, v0;
	_ =	sdelay $0x3  }
0xfb: {  	[tilespmem:s4+$0x4800] =	vst v2  }
0xfc: {  	s8 =	sadd.s32 $0xFFFFFFF3, s3;
	v2 =	vld.idx.msk [tilespmem:v3+s2+$0x0], $0xffff  }
0xfd: {  	v3 =	vadd.s32 s8, v0;
	_ =	sdelay $0x3  }
0xfe: {  	[tilespmem:s4+$0x4A00] =	vst v2  }
0xff: {  	s6 =	sadd.s32 $0xFFFFFFF4, s3;
	v2 =	vld.idx.msk [tilespmem:v3+s2+$0x0], $0xffff  }
0x100: {  	v3 =	vadd.s32 s6, v0;
	_ =	sdelay $0x3  }
0x101: {  	[tilespmem:s4+$0x4C00] =	vst v2  }
0x102: {  	s7 =	sadd.s32 $0xFFFFFFF5, s3;
	v2 =	vld.idx.msk [tilespmem:v3+s2+$0x0], $0xffff  }
0x103: {  	v3 =	vadd.s32 s7, v0;
	_ =	sdelay $0x3  }
0x104: {  	[tilespmem:s4+$0x4E00] =	vst v2  }
0x105: {  	s8 =	sadd.s32 $0xFFFFFFF6, s3;
	v2 =	vld.idx.msk [tilespmem:v3+s2+$0x0], $0xffff  }
0x106: {  	v3 =	vadd.s32 s8, v0;
	_ =	sdelay $0x3  }
0x107: {  	[tilespmem:s4+$0x5000] =	vst v2  }
0x108: {  	s6 =	sadd.s32 $0xFFFFFFF7, s3;
	v2 =	vld.idx.msk [tilespmem:v3+s2+$0x0], $0xffff  }
0x109: {  	v3 =	vadd.s32 s6, v0;
	_ =	sdelay $0x3  }
0x10a: {  	[tilespmem:s4+$0x5200] =	vst v2  }
0x10b: {  	s7 =	sadd.s32 $0xFFFFFFF8, s3;
	v2 =	vld.idx.msk [tilespmem:v3+s2+$0x0], $0xffff  }
0x10c: {  	v3 =	vadd.s32 s7, v0;
	_ =	sdelay $0x3  }
0x10d: {  	[tilespmem:s4+$0x5400] =	vst v2  }
0x10e: {  	s8 =	sadd.s32 $0xFFFFFFF9, s3;
	v2 =	vld.idx.msk [tilespmem:v3+s2+$0x0], $0xffff  }
0x10f: {  	v3 =	vadd.s32 s8, v0;
	_ =	sdelay $0x3  }
0x110: {  	[tilespmem:s4+$0x5600] =	vst v2  }
0x111: {  	s6 =	sadd.s32 $0xFFFFFFFA, s3;
	v2 =	vld.idx.msk [tilespmem:v3+s2+$0x0], $0xffff  }
0x112: {  	v3 =	vadd.s32 s6, v0;
	_ =	sdelay $0x3  }
0x113: {  	[tilespmem:s4+$0x5800] =	vst v2  }
0x114: {  	s7 =	sadd.s32 $0xFFFFFFFB, s3;
	v2 =	vld.idx.msk [tilespmem:v3+s2+$0x0], $0xffff  }
0x115: {  	v3 =	vadd.s32 s7, v0;
	_ =	sdelay $0x3  }
0x116: {  	[tilespmem:s4+$0x5A00] =	vst v2  }
0x117: {  	s8 =	sadd.s32 $0xFFFFFFFC, s3;
	v2 =	vld.idx.msk [tilespmem:v3+s2+$0x0], $0xffff  }
0x118: {  	v3 =	vadd.s32 s8, v0;
	_ =	sdelay $0x3  }
0x119: {  	[tilespmem:s4+$0x5C00] =	vst v2  }
0x11a: {  	s6 =	sadd.s32 $0xFFFFFFFD, s3;
	v2 =	vld.idx.msk [tilespmem:v3+s2+$0x0], $0xffff  }
0x11b: {  	v3 =	vadd.s32 s6, v0;
	_ =	sdelay $0x3  }
0x11c: {  	[tilespmem:s4+$0x5E00] =	vst v2  }
0x11d: {  	s7 =	sadd.s32 $0xFFFFFFFE, s3;
	v2 =	vld.idx.msk [tilespmem:v3+s2+$0x0], $0xffff  }
0x11e: {  	v3 =	vadd.s32 s7, v0;
	_ =	sdelay $0x3  }
0x11f: {  	[tilespmem:s4+$0x6000] =	vst v2  }
0x120: {  	s8 =	sadd.s32 $0xFFFFFFFF, s3;
	v2 =	vld.idx.msk [tilespmem:v3+s2+$0x0], $0xffff  }
0x121: {  	v3 =	vadd.s32 s8, v0;
	_ =	sdelay $0x3  }
0x122: {  	[tilespmem:s4+$0x6200] =	vst v2  }
0x123: {  	v2 =	vld.idx.msk [tilespmem:v3+s2+$0x0], $0xffff  }
0x124: {  	v3 =	vadd.s32 s3, v0;
	_ =	sdelay $0x3  }
0x125: {  	[tilespmem:s4+$0x6400] =	vst v2  }
0x126: {  	v2 =	vld.idx.msk [tilespmem:v3+s2+$0x0], $0xffff;
	_ =	sdelay $0x4  }
0x127: {  	s5 =	simm.s32 $0x6800;
	s7 =	simm.s32 $0x3400;
	s3 =	rddreg [dreg:$0x3];
	[tilespmem:s4+$0x6600] =	vst v2  }
0x128: {  	[tilespmem:s5], [sflag:$0x1] =	stream.indirect.gather [hbm4b:s3+s24], $0x1, s7, s24, $0xb8;
	[tilespmem:$0xCC00] =	vst v63  }
0x129: {  	s6 =	simm.s32 $0x3480;
	s8 =	simm.s32 $0x6880  }
0x12a: {  	[tilespmem:s8], [sflag:$0x1] =	stream.indirect.gather [hbm4b:s3+s24], $0x1, s6, s24, $0xb8;
	[tilespmem:$0xCC00] =	vst v63  }
0x12b: {  	s6 =	simm.s32 $0x3500;
	s8 =	simm.s32 $0x6900  }
0x12c: {  	[tilespmem:s8], [sflag:$0x1] =	stream.indirect.gather [hbm4b:s3+s24], $0x1, s6, s24, $0xb8;
	[tilespmem:$0xCC00] =	vst v63  }
0x12d: {  	s6 =	simm.s32 $0x3580;
	s8 =	simm.s32 $0x6980  }
0x12e: {  	[tilespmem:s8], [sflag:$0x1] =	stream.indirect.gather [hbm4b:s3+s24], $0x1, s6, s24, $0xb8;
	[tilespmem:$0xCC00] =	vst v63  }
0x12f: {  	s3 =	rddreg [dreg:$0x0];
	s6 =	simm.s32 $0x3600;
	s8 =	simm.s32 $0x6A00  }
0x130: {  	[tilespmem:s8], [sflag:$0x1] =	stream.indirect.gather [hbm4b:s3+s24], $0x1, s6, s24, $0xb8;
	[tilespmem:$0xCC00] =	vst v63  }
0x131: {  	s6 =	simm.s32 $0x3680;
	s8 =	simm.s32 $0x6A80  }
0x132: {  	[tilespmem:s8], [sflag:$0x1] =	stream.indirect.gather [hbm4b:s3+s24], $0x1, s6, s24, $0xb8;
	[tilespmem:$0xCC00] =	vst v63  }
0x133: {  	s6 =	simm.s32 $0x3700;
	s8 =	simm.s32 $0x6B00  }
0x134: {  	[tilespmem:s8], [sflag:$0x1] =	stream.indirect.gather [hbm4b:s3+s24], $0x1, s6, s24, $0xb8;
	[tilespmem:$0xCC00] =	vst v63  }
0x135: {  	s6 =	simm.s32 $0x3780;
	s8 =	simm.s32 $0x6B80  }
0x136: {  	[tilespmem:s8], [sflag:$0x1] =	stream.indirect.gather [hbm4b:s3+s24], $0x1, s6, s24, $0xb8;
	[tilespmem:$0xCC00] =	vst v63  }
0x137: {  	s3 =	rddreg [dreg:$0x4];
	s6 =	simm.s32 $0x3800;
	s8 =	simm.s32 $0x6C00  }
0x138: {  	[tilespmem:s8], [sflag:$0x1] =	stream.indirect.gather [hbm4b:s3+s24], $0x1, s6, s24, $0xb8;
	[tilespmem:$0xCC00] =	vst v63  }
0x139: {  	s6 =	simm.s32 $0x3880;
	s8 =	simm.s32 $0x6C80  }
0x13a: {  	[tilespmem:s8], [sflag:$0x1] =	stream.indirect.gather [hbm4b:s3+s24], $0x1, s6, s24, $0xb8;
	[tilespmem:$0xCC00] =	vst v63  }
0x13b: {  	s6 =	simm.s32 $0x3900;
	s8 =	simm.s32 $0x6D00  }
0x13c: {  	[tilespmem:s8], [sflag:$0x1] =	stream.indirect.gather [hbm4b:s3+s24], $0x1, s6, s24, $0xb8;
	[tilespmem:$0xCC00] =	vst v63  }
0x13d: {  	s6 =	simm.s32 $0x3980;
	s8 =	simm.s32 $0x6D80  }
0x13e: {  	[tilespmem:s8], [sflag:$0x1] =	stream.indirect.gather [hbm4b:s3+s24], $0x1, s6, s24, $0xb8;
	[tilespmem:$0xCC00] =	vst v63  }
0x13f: {  	s3 =	rddreg [dreg:$0x5];
	s6 =	simm.s32 $0x3A00;
	s8 =	simm.s32 $0x6E00  }
0x140: {  	[tilespmem:s8], [sflag:$0x1] =	stream.indirect.gather [hbm4b:s3+s24], $0x1, s6, s24, $0xb8;
	[tilespmem:$0xCC00] =	vst v63  }
0x141: {  	s6 =	simm.s32 $0x3A80;
	s8 =	simm.s32 $0x6E80  }
0x142: {  	[tilespmem:s8], [sflag:$0x1] =	stream.indirect.gather [hbm4b:s3+s24], $0x1, s6, s24, $0xb8;
	[tilespmem:$0xCC00] =	vst v63  }
0x143: {  	s6 =	simm.s32 $0x3B00;
	s8 =	simm.s32 $0x6F00  }
0x144: {  	[tilespmem:s8], [sflag:$0x1] =	stream.indirect.gather [hbm4b:s3+s24], $0x1, s6, s24, $0xb8;
	[tilespmem:$0xCC00] =	vst v63  }
0x145: {  	s6 =	simm.s32 $0x3B80;
	s8 =	simm.s32 $0x6F80  }
0x146: {  	[tilespmem:s8], [sflag:$0x1] =	stream.indirect.gather [hbm4b:s3+s24], $0x1, s6, s24, $0xb8;
	[tilespmem:$0xCC00] =	vst v63  }
0x147: {  	s3 =	rddreg [dreg:$0x6];
	s6 =	simm.s32 $0x3C00;
	s8 =	simm.s32 $0x7000  }
0x148: {  	[tilespmem:s8], [sflag:$0x1] =	stream.indirect.gather [hbm4b:s3+s24], $0x1, s6, s24, $0xb8;
	[tilespmem:$0xCC00] =	vst v63  }
0x149: {  	s6 =	simm.s32 $0x3C80;
	s8 =	simm.s32 $0x7080  }
0x14a: {  	[tilespmem:s8], [sflag:$0x1] =	stream.indirect.gather [hbm4b:s3+s24], $0x1, s6, s24, $0xb8;
	[tilespmem:$0xCC00] =	vst v63  }
0x14b: {  	s6 =	simm.s32 $0x3D00;
	s8 =	simm.s32 $0x7100  }
0x14c: {  	[tilespmem:s8], [sflag:$0x1] =	stream.indirect.gather [hbm4b:s3+s24], $0x1, s6, s24, $0xb8;
	[tilespmem:$0xCC00] =	vst v63  }
0x14d: {  	s6 =	simm.s32 $0x3D80;
	s8 =	simm.s32 $0x7180  }
0x14e: {  	[tilespmem:s8], [sflag:$0x1] =	stream.indirect.gather [hbm4b:s3+s24], $0x1, s6, s24, $0xb8;
	[tilespmem:$0xCC00] =	vst v63  }
0x14f: {  	s3 =	rddreg [dreg:$0x7];
	s6 =	simm.s32 $0x3E00;
	s8 =	simm.s32 $0x7200  }
0x150: {  	[tilespmem:s8], [sflag:$0x1] =	stream.indirect.gather [hbm4b:s3+s24], $0x1, s6, s24, $0xb8;
	[tilespmem:$0xCC00] =	vst v63  }
0x151: {  	s6 =	simm.s32 $0x3E80;
	s8 =	simm.s32 $0x7280  }
0x152: {  	[tilespmem:s8], [sflag:$0x1] =	stream.indirect.gather [hbm4b:s3+s24], $0x1, s6, s24, $0xb8;
	[tilespmem:$0xCC00] =	vst v63  }
0x153: {  	s6 =	simm.s32 $0x3F00;
	s8 =	simm.s32 $0x7300  }
0x154: {  	[tilespmem:s8], [sflag:$0x1] =	stream.indirect.gather [hbm4b:s3+s24], $0x1, s6, s24, $0xb8;
	[tilespmem:$0xCC00] =	vst v63  }
0x155: {  	s6 =	simm.s32 $0x3F80;
	s8 =	simm.s32 $0x7380  }
0x156: {  	[tilespmem:s8], [sflag:$0x1] =	stream.indirect.gather [hbm4b:s3+s24], $0x1, s6, s24, $0xb8;
	[tilespmem:$0xCC00] =	vst v63  }
0x157: {  	s3 =	rddreg [dreg:$0x8];
	s6 =	simm.s32 $0x4000;
	s8 =	simm.s32 $0x7400  }
0x158: {  	[tilespmem:s8], [sflag:$0x1] =	stream.indirect.gather [hbm4b:s3+s24], $0x1, s6, s24, $0xb8;
	[tilespmem:$0xCC00] =	vst v63  }
0x159: {  	s6 =	simm.s32 $0x4080;
	s8 =	simm.s32 $0x7480  }
0x15a: {  	[tilespmem:s8], [sflag:$0x1] =	stream.indirect.gather [hbm4b:s3+s24], $0x1, s6, s24, $0xb8;
	[tilespmem:$0xCC00] =	vst v63  }
0x15b: {  	s6 =	simm.s32 $0x4100;
	s8 =	simm.s32 $0x7500  }
0x15c: {  	[tilespmem:s8], [sflag:$0x1] =	stream.indirect.gather [hbm4b:s3+s24], $0x1, s6, s24, $0xb8;
	[tilespmem:$0xCC00] =	vst v63  }
0x15d: {  	s6 =	simm.s32 $0x4180;
	s8 =	simm.s32 $0x7580  }
0x15e: {  	[tilespmem:s8], [sflag:$0x1] =	stream.indirect.gather [hbm4b:s3+s24], $0x1, s6, s24, $0xb8;
	[tilespmem:$0xCC00] =	vst v63  }
0x15f: {  	s4 =	simm.s32 $0x4200;
	s5 =	simm.s32 $0x7600  }
0x160: {  	[tilespmem:s5], [sflag:$0x1] =	stream.indirect.gather [hbm4b:s12+s24], $0x1, s4, s24, $0xb8;
	[tilespmem:$0xCC00] =	vst v63  }
0x161: {  	s6 =	simm.s32 $0x4280;
	s8 =	simm.s32 $0x7680  }
0x162: {  	[tilespmem:s8], [sflag:$0x1] =	stream.indirect.gather [hbm4b:s12+s24], $0x1, s6, s24, $0xb8;
	[tilespmem:$0xCC00] =	vst v63  }
0x163: {  	s4 =	simm.s32 $0x4300;
	s5 =	simm.s32 $0x7700  }
0x164: {  	[tilespmem:s5], [sflag:$0x1] =	stream.indirect.gather [hbm4b:s12+s24], $0x1, s4, s24, $0xb8;
	[tilespmem:$0xCC00] =	vst v63  }
0x165: {  	s6 =	simm.s32 $0x4380;
	s8 =	simm.s32 $0x7780  }
0x166: {  	[tilespmem:s8], [sflag:$0x1] =	stream.indirect.gather [hbm4b:s12+s24], $0x1, s6, s24, $0xb8;
	[tilespmem:$0xCC00] =	vst v63  }
0x167: {  	s4 =	simm.s32 $0x4400;
	s5 =	simm.s32 $0x7800  }
0x168: {  	[tilespmem:s5], [sflag:$0x1] =	stream.indirect.gather [hbm4b:s9+s24], $0x1, s4, s24, $0xb8;
	[tilespmem:$0xCC00] =	vst v63  }
0x169: {  	s6 =	simm.s32 $0x4480;
	s8 =	simm.s32 $0x7880  }
0x16a: {  	[tilespmem:s8], [sflag:$0x1] =	stream.indirect.gather [hbm4b:s9+s24], $0x1, s6, s24, $0xb8;
	[tilespmem:$0xCC00] =	vst v63  }
0x16b: {  	s4 =	simm.s32 $0x4500;
	s5 =	simm.s32 $0x7900  }
0x16c: {  	[tilespmem:s5], [sflag:$0x1] =	stream.indirect.gather [hbm4b:s9+s24], $0x1, s4, s24, $0xb8;
	[tilespmem:$0xCC00] =	vst v63  }
0x16d: {  	s6 =	simm.s32 $0x4580;
	s8 =	simm.s32 $0x7980  }
0x16e: {  	[tilespmem:s8], [sflag:$0x1] =	stream.indirect.gather [hbm4b:s9+s24], $0x1, s6, s24, $0xb8;
	[tilespmem:$0xCC00] =	vst v63  }
0x16f: {  	s4 =	simm.s32 $0x4600;
	s5 =	simm.s32 $0x7A00  }
0x170: {  	[tilespmem:s5], [sflag:$0x1] =	stream.indirect.gather [hbm4b:s10+s24], $0x1, s4, s24, $0xb8;
	[tilespmem:$0xCC00] =	vst v63  }
0x171: {  	s6 =	simm.s32 $0x4680;
	s8 =	simm.s32 $0x7A80  }
0x172: {  	[tilespmem:s8], [sflag:$0x1] =	stream.indirect.gather [hbm4b:s10+s24], $0x1, s6, s24, $0xb8;
	[tilespmem:$0xCC00] =	vst v63  }
0x173: {  	s4 =	simm.s32 $0x4700;
	s5 =	simm.s32 $0x7B00  }
0x174: {  	[tilespmem:s5], [sflag:$0x1] =	stream.indirect.gather [hbm4b:s10+s24], $0x1, s4, s24, $0xb8;
	[tilespmem:$0xCC00] =	vst v63  }
0x175: {  	s6 =	simm.s32 $0x4780;
	s8 =	simm.s32 $0x7B80  }
0x176: {  	[tilespmem:s8], [sflag:$0x1] =	stream.indirect.gather [hbm4b:s10+s24], $0x1, s6, s24, $0xb8;
	[tilespmem:$0xCC00] =	vst v63  }
0x177: {  	s4 =	simm.s32 $0x4800;
	s5 =	simm.s32 $0x7C00  }
0x178: {  	[tilespmem:s5], [sflag:$0x1] =	stream.indirect.gather [hbm4b:s11+s24], $0x1, s4, s24, $0xb8;
	[tilespmem:$0xCC00] =	vst v63  }
0x179: {  	s6 =	simm.s32 $0x4880;
	s8 =	simm.s32 $0x7C80  }
0x17a: {  	[tilespmem:s8], [sflag:$0x1] =	stream.indirect.gather [hbm4b:s11+s24], $0x1, s6, s24, $0xb8;
	[tilespmem:$0xCC00] =	vst v63  }
0x17b: {  	s4 =	simm.s32 $0x4900;
	s5 =	simm.s32 $0x7D00  }
0x17c: {  	[tilespmem:s5], [sflag:$0x1] =	stream.indirect.gather [hbm4b:s11+s24], $0x1, s4, s24, $0xb8;
	[tilespmem:$0xCC00] =	vst v63  }
0x17d: {  	s6 =	simm.s32 $0x4980;
	s8 =	simm.s32 $0x7D80  }
0x17e: {  	[tilespmem:s8], [sflag:$0x1] =	stream.indirect.gather [hbm4b:s11+s24], $0x1, s6, s24, $0xb8;
	[tilespmem:$0xCC00] =	vst v63  }
0x17f: {  	s4 =	simm.s32 $0x4A00;
	s5 =	simm.s32 $0x7E00  }
0x180: {  	[tilespmem:s5], [sflag:$0x1] =	stream.indirect.gather [hbm4b:s14+s24], $0x1, s4, s24, $0xb8;
	[tilespmem:$0xCC00] =	vst v63  }
0x181: {  	s6 =	simm.s32 $0x4A80;
	s8 =	simm.s32 $0x7E80  }
0x182: {  	[tilespmem:s8], [sflag:$0x1] =	stream.indirect.gather [hbm4b:s14+s24], $0x1, s6, s24, $0xb8;
	[tilespmem:$0xCC00] =	vst v63  }
0x183: {  	s4 =	simm.s32 $0x4B00;
	s5 =	simm.s32 $0x7F00  }
0x184: {  	[tilespmem:s5], [sflag:$0x1] =	stream.indirect.gather [hbm4b:s14+s24], $0x1, s4, s24, $0xb8;
	[tilespmem:$0xCC00] =	vst v63  }
0x185: {  	s6 =	simm.s32 $0x4B80;
	s8 =	simm.s32 $0x7F80  }
0x186: {  	[tilespmem:s8], [sflag:$0x1] =	stream.indirect.gather [hbm4b:s14+s24], $0x1, s6, s24, $0xb8;
	[tilespmem:$0xCC00] =	vst v63  }
0x187: {  	s4 =	simm.s32 $0x4C00;
	s5 =	simm.s32 $0x8000  }
0x188: {  	[tilespmem:s5], [sflag:$0x1] =	stream.indirect.gather [hbm4b:s15+s24], $0x1, s4, s24, $0xb8;
	[tilespmem:$0xCC00] =	vst v63  }
0x189: {  	s6 =	simm.s32 $0x4C80;
	s8 =	simm.s32 $0x8080  }
0x18a: {  	[tilespmem:s8], [sflag:$0x1] =	stream.indirect.gather [hbm4b:s15+s24], $0x1, s6, s24, $0xb8;
	[tilespmem:$0xCC00] =	vst v63  }
0x18b: {  	s4 =	simm.s32 $0x4D00;
	s5 =	simm.s32 $0x8100  }
0x18c: {  	[tilespmem:s5], [sflag:$0x1] =	stream.indirect.gather [hbm4b:s15+s24], $0x1, s4, s24, $0xb8;
	[tilespmem:$0xCC00] =	vst v63  }
0x18d: {  	s6 =	simm.s32 $0x4D80;
	s8 =	simm.s32 $0x8180  }
0x18e: {  	[tilespmem:s8], [sflag:$0x1] =	stream.indirect.gather [hbm4b:s15+s24], $0x1, s6, s24, $0xb8;
	[tilespmem:$0xCC00] =	vst v63  }
0x18f: {  	s4 =	simm.s32 $0x4E00;
	s5 =	simm.s32 $0x8200  }
0x190: {  	[tilespmem:s5], [sflag:$0x1] =	stream.indirect.gather [hbm4b:s16+s24], $0x1, s4, s24, $0xb8;
	[tilespmem:$0xCC00] =	vst v63  }
0x191: {  	s6 =	simm.s32 $0x4E80;
	s8 =	simm.s32 $0x8280  }
0x192: {  	[tilespmem:s8], [sflag:$0x1] =	stream.indirect.gather [hbm4b:s16+s24], $0x1, s6, s24, $0xb8;
	[tilespmem:$0xCC00] =	vst v63  }
0x193: {  	s4 =	simm.s32 $0x4F00;
	s5 =	simm.s32 $0x8300  }
0x194: {  	[tilespmem:s5], [sflag:$0x1] =	stream.indirect.gather [hbm4b:s16+s24], $0x1, s4, s24, $0xb8;
	[tilespmem:$0xCC00] =	vst v63  }
0x195: {  	s6 =	simm.s32 $0x4F80;
	s8 =	simm.s32 $0x8380  }
0x196: {  	[tilespmem:s8], [sflag:$0x1] =	stream.indirect.gather [hbm4b:s16+s24], $0x1, s6, s24, $0xb8;
	[tilespmem:$0xCC00] =	vst v63  }
0x197: {  	s4 =	simm.s32 $0x5000;
	s5 =	simm.s32 $0x8400  }
0x198: {  	[tilespmem:s5], [sflag:$0x1] =	stream.indirect.gather [hbm4b:s17+s24], $0x1, s4, s24, $0xb8;
	[tilespmem:$0xCC00] =	vst v63  }
0x199: {  	s6 =	simm.s32 $0x5080;
	s8 =	simm.s32 $0x8480  }
0x19a: {  	[tilespmem:s8], [sflag:$0x1] =	stream.indirect.gather [hbm4b:s17+s24], $0x1, s6, s24, $0xb8;
	[tilespmem:$0xCC00] =	vst v63  }
0x19b: {  	s4 =	simm.s32 $0x5100;
	s5 =	simm.s32 $0x8500  }
0x19c: {  	[tilespmem:s5], [sflag:$0x1] =	stream.indirect.gather [hbm4b:s17+s24], $0x1, s4, s24, $0xb8;
	[tilespmem:$0xCC00] =	vst v63  }
0x19d: {  	s6 =	simm.s32 $0x5180;
	s8 =	simm.s32 $0x8580  }
0x19e: {  	[tilespmem:s8], [sflag:$0x1] =	stream.indirect.gather [hbm4b:s17+s24], $0x1, s6, s24, $0xb8;
	[tilespmem:$0xCC00] =	vst v63  }
0x19f: {  	s4 =	simm.s32 $0x5200;
	s5 =	simm.s32 $0x8600  }
0x1a0: {  	[tilespmem:s5], [sflag:$0x1] =	stream.indirect.gather [hbm4b:s18+s24], $0x1, s4, s24, $0xb8;
	[tilespmem:$0xCC00] =	vst v63  }
0x1a1: {  	s6 =	simm.s32 $0x5280;
	s8 =	simm.s32 $0x8680  }
0x1a2: {  	[tilespmem:s8], [sflag:$0x1] =	stream.indirect.gather [hbm4b:s18+s24], $0x1, s6, s24, $0xb8;
	[tilespmem:$0xCC00] =	vst v63  }
0x1a3: {  	s4 =	simm.s32 $0x5300;
	s5 =	simm.s32 $0x8700  }
0x1a4: {  	[tilespmem:s5], [sflag:$0x1] =	stream.indirect.gather [hbm4b:s18+s24], $0x1, s4, s24, $0xb8;
	[tilespmem:$0xCC00] =	vst v63  }
0x1a5: {  	s6 =	simm.s32 $0x5380;
	s8 =	simm.s32 $0x8780  }
0x1a6: {  	[tilespmem:s8], [sflag:$0x1] =	stream.indirect.gather [hbm4b:s18+s24], $0x1, s6, s24, $0xb8;
	[tilespmem:$0xCC00] =	vst v63  }
0x1a7: {  	s4 =	simm.s32 $0x5400;
	s5 =	simm.s32 $0x8800  }
0x1a8: {  	[tilespmem:s5], [sflag:$0x1] =	stream.indirect.gather [hbm4b:s19+s24], $0x1, s4, s24, $0xb8;
	[tilespmem:$0xCC00] =	vst v63  }
0x1a9: {  	s6 =	simm.s32 $0x5480;
	s8 =	simm.s32 $0x8880  }
0x1aa: {  	[tilespmem:s8], [sflag:$0x1] =	stream.indirect.gather [hbm4b:s19+s24], $0x1, s6, s24, $0xb8;
	[tilespmem:$0xCC00] =	vst v63  }
0x1ab: {  	s4 =	simm.s32 $0x5500;
	s5 =	simm.s32 $0x8900  }
0x1ac: {  	[tilespmem:s5], [sflag:$0x1] =	stream.indirect.gather [hbm4b:s19+s24], $0x1, s4, s24, $0xb8;
	[tilespmem:$0xCC00] =	vst v63  }
0x1ad: {  	s6 =	simm.s32 $0x5580;
	s8 =	simm.s32 $0x8980  }
0x1ae: {  	[tilespmem:s8], [sflag:$0x1] =	stream.indirect.gather [hbm4b:s19+s24], $0x1, s6, s24, $0xb8;
	[tilespmem:$0xCC00] =	vst v63  }
0x1af: {  	s4 =	simm.s32 $0x5600;
	s5 =	simm.s32 $0x8A00  }
0x1b0: {  	[tilespmem:s5], [sflag:$0x1] =	stream.indirect.gather [hbm4b:s20+s24], $0x1, s4, s24, $0xb8;
	[tilespmem:$0xCC00] =	vst v63  }
0x1b1: {  	s6 =	simm.s32 $0x5680;
	s8 =	simm.s32 $0x8A80  }
0x1b2: {  	[tilespmem:s8], [sflag:$0x1] =	stream.indirect.gather [hbm4b:s20+s24], $0x1, s6, s24, $0xb8;
	[tilespmem:$0xCC00] =	vst v63  }
0x1b3: {  	s4 =	simm.s32 $0x5700;
	s5 =	simm.s32 $0x8B00  }
0x1b4: {  	[tilespmem:s5], [sflag:$0x1] =	stream.indirect.gather [hbm4b:s20+s24], $0x1, s4, s24, $0xb8;
	[tilespmem:$0xCC00] =	vst v63  }
0x1b5: {  	s6 =	simm.s32 $0x5780;
	s8 =	simm.s32 $0x8B80  }
0x1b6: {  	[tilespmem:s8], [sflag:$0x1] =	stream.indirect.gather [hbm4b:s20+s24], $0x1, s6, s24, $0xb8;
	[tilespmem:$0xCC00] =	vst v63  }
0x1b7: {  	s4 =	simm.s32 $0x5800;
	s5 =	simm.s32 $0x8C00  }
0x1b8: {  	[tilespmem:s5], [sflag:$0x1] =	stream.indirect.gather [hbm4b:s22+s24], $0x1, s4, s24, $0xb8;
	[tilespmem:$0xCC00] =	vst v63  }
0x1b9: {  	s6 =	simm.s32 $0x5880;
	s8 =	simm.s32 $0x8C80  }
0x1ba: {  	[tilespmem:s8], [sflag:$0x1] =	stream.indirect.gather [hbm4b:s22+s24], $0x1, s6, s24, $0xb8;
	[tilespmem:$0xCC00] =	vst v63  }
0x1bb: {  	s4 =	simm.s32 $0x5900;
	s5 =	simm.s32 $0x8D00  }
0x1bc: {  	[tilespmem:s5], [sflag:$0x1] =	stream.indirect.gather [hbm4b:s22+s24], $0x1, s4, s24, $0xb8;
	[tilespmem:$0xCC00] =	vst v63  }
0x1bd: {  	s6 =	simm.s32 $0x5980;
	s8 =	simm.s32 $0x8D80  }
0x1be: {  	[tilespmem:s8], [sflag:$0x1] =	stream.indirect.gather [hbm4b:s22+s24], $0x1, s6, s24, $0xb8;
	[tilespmem:$0xCC00] =	vst v63  }
0x1bf: {  	s4 =	simm.s32 $0x5A00;
	s5 =	simm.s32 $0x8E00  }
0x1c0: {  	[tilespmem:s5], [sflag:$0x1] =	stream.indirect.gather [hbm4b:s26+s24], $0x1, s4, s24, $0xb8;
	[tilespmem:$0xCC00] =	vst v63  }
0x1c1: {  	s6 =	simm.s32 $0x5A80;
	s8 =	simm.s32 $0x8E80  }
0x1c2: {  	[tilespmem:s8], [sflag:$0x1] =	stream.indirect.gather [hbm4b:s26+s24], $0x1, s6, s24, $0xb8;
	[tilespmem:$0xCC00] =	vst v63  }
0x1c3: {  	s4 =	simm.s32 $0x5B00;
	s5 =	simm.s32 $0x8F00  }
0x1c4: {  	[tilespmem:s5], [sflag:$0x1] =	stream.indirect.gather [hbm4b:s26+s24], $0x1, s4, s24, $0xb8;
	[tilespmem:$0xCC00] =	vst v63  }
0x1c5: {  	s6 =	simm.s32 $0x5B80;
	s8 =	simm.s32 $0x8F80  }
0x1c6: {  	[tilespmem:s8], [sflag:$0x1] =	stream.indirect.gather [hbm4b:s26+s24], $0x1, s6, s24, $0xb8;
	[tilespmem:$0xCC00] =	vst v63  }
0x1c7: {  	s4 =	simm.s32 $0x5C00;
	s5 =	simm.s32 $0x9000  }
0x1c8: {  	[tilespmem:s5], [sflag:$0x1] =	stream.indirect.gather [hbm4b:s28+s24], $0x1, s4, s24, $0xb8;
	[tilespmem:$0xCC00] =	vst v63  }
0x1c9: {  	s6 =	simm.s32 $0x5C80;
	s8 =	simm.s32 $0x9080  }
0x1ca: {  	[tilespmem:s8], [sflag:$0x1] =	stream.indirect.gather [hbm4b:s28+s24], $0x1, s6, s24, $0xb8;
	[tilespmem:$0xCC00] =	vst v63  }
0x1cb: {  	s4 =	simm.s32 $0x5D00;
	s5 =	simm.s32 $0x9100  }
0x1cc: {  	[tilespmem:s5], [sflag:$0x1] =	stream.indirect.gather [hbm4b:s28+s24], $0x1, s4, s24, $0xb8;
	[tilespmem:$0xCC00] =	vst v63  }
0x1cd: {  	s6 =	simm.s32 $0x5D80;
	s8 =	simm.s32 $0x9180  }
0x1ce: {  	[tilespmem:s8], [sflag:$0x1] =	stream.indirect.gather [hbm4b:s28+s24], $0x1, s6, s24, $0xb8;
	[tilespmem:$0xCC00] =	vst v63  }
0x1cf: {  	s4 =	simm.s32 $0x5E00;
	s5 =	simm.s32 $0x9200  }
0x1d0: {  	[tilespmem:s5], [sflag:$0x1] =	stream.indirect.gather [hbm4b:s29+s24], $0x1, s4, s24, $0xb8;
	[tilespmem:$0xCC00] =	vst v63  }
0x1d1: {  	s6 =	simm.s32 $0x5E80;
	s8 =	simm.s32 $0x9280  }
0x1d2: {  	[tilespmem:s8], [sflag:$0x1] =	stream.indirect.gather [hbm4b:s29+s24], $0x1, s6, s24, $0xb8;
	[tilespmem:$0xCC00] =	vst v63  }
0x1d3: {  	s4 =	simm.s32 $0x5F00;
	s5 =	simm.s32 $0x9300  }
0x1d4: {  	[tilespmem:s5], [sflag:$0x1] =	stream.indirect.gather [hbm4b:s29+s24], $0x1, s4, s24, $0xb8;
	[tilespmem:$0xCC00] =	vst v63  }
0x1d5: {  	s6 =	simm.s32 $0x5F80;
	s8 =	simm.s32 $0x9380  }
0x1d6: {  	[tilespmem:s8], [sflag:$0x1] =	stream.indirect.gather [hbm4b:s29+s24], $0x1, s6, s24, $0xb8;
	[tilespmem:$0xCC00] =	vst v63  }
0x1d7: {  	s4 =	simm.s32 $0x6000;
	s5 =	simm.s32 $0x9400  }
0x1d8: {  	[tilespmem:s5], [sflag:$0x1] =	stream.indirect.gather [hbm4b:s30+s24], $0x1, s4, s24, $0xb8;
	[tilespmem:$0xCC00] =	vst v63  }
0x1d9: {  	s6 =	simm.s32 $0x6080;
	s8 =	simm.s32 $0x9480  }
0x1da: {  	[tilespmem:s8], [sflag:$0x1] =	stream.indirect.gather [hbm4b:s30+s24], $0x1, s6, s24, $0xb8;
	[tilespmem:$0xCC00] =	vst v63  }
0x1db: {  	s4 =	simm.s32 $0x6100;
	s5 =	simm.s32 $0x9500  }
0x1dc: {  	[tilespmem:s5], [sflag:$0x1] =	stream.indirect.gather [hbm4b:s30+s24], $0x1, s4, s24, $0xb8;
	[tilespmem:$0xCC00] =	vst v63  }
0x1dd: {  	s6 =	simm.s32 $0x6180;
	s8 =	simm.s32 $0x9580  }
0x1de: {  	[tilespmem:s8], [sflag:$0x1] =	stream.indirect.gather [hbm4b:s30+s24], $0x1, s6, s24, $0xb8;
	[tilespmem:$0xCC00] =	vst v63  }
0x1df: {  	s4 =	simm.s32 $0x6200;
	s5 =	simm.s32 $0x9600  }
0x1e0: {  	[tilespmem:s5], [sflag:$0x1] =	stream.indirect.gather [hbm4b:s31+s24], $0x1, s4, s24, $0xb8;
	[tilespmem:$0xCC00] =	vst v63  }
0x1e1: {  	s6 =	simm.s32 $0x6280;
	s8 =	simm.s32 $0x9680  }
0x1e2: {  	[tilespmem:s8], [sflag:$0x1] =	stream.indirect.gather [hbm4b:s31+s24], $0x1, s6, s24, $0xb8;
	[tilespmem:$0xCC00] =	vst v63  }
0x1e3: {  	s4 =	simm.s32 $0x6300;
	s5 =	simm.s32 $0x9700  }
0x1e4: {  	[tilespmem:s5], [sflag:$0x1] =	stream.indirect.gather [hbm4b:s31+s24], $0x1, s4, s24, $0xb8;
	[tilespmem:$0xCC00] =	vst v63  }
0x1e5: {  	s6 =	simm.s32 $0x6380;
	s8 =	simm.s32 $0x9780  }
0x1e6: {  	[tilespmem:s8], [sflag:$0x1] =	stream.indirect.gather [hbm4b:s31+s24], $0x1, s6, s24, $0xb8;
	[tilespmem:$0xCC00] =	vst v63  }
0x1e7: {  	s4 =	simm.s32 $0x6400;
	s5 =	simm.s32 $0x9800  }
0x1e8: {  	[tilespmem:s5], [sflag:$0x1] =	stream.indirect.gather [hbm4b:s0+s24], $0x1, s4, s24, $0xb8;
	[tilespmem:$0xCC00] =	vst v63  }
0x1e9: {  	s6 =	simm.s32 $0x6480;
	s8 =	simm.s32 $0x9880  }
0x1ea: {  	[tilespmem:s8], [sflag:$0x1] =	stream.indirect.gather [hbm4b:s0+s24], $0x1, s6, s24, $0xb8;
	[tilespmem:$0xCC00] =	vst v63  }
0x1eb: {  	s4 =	simm.s32 $0x6500;
	s5 =	simm.s32 $0x9900  }
0x1ec: {  	[tilespmem:s5], [sflag:$0x1] =	stream.indirect.gather [hbm4b:s0+s24], $0x1, s4, s24, $0xb8;
	[tilespmem:$0xCC00] =	vst v63  }
0x1ed: {  	s6 =	simm.s32 $0x6580;
	s8 =	simm.s32 $0x9980  }
0x1ee: {  	[tilespmem:s8], [sflag:$0x1] =	stream.indirect.gather [hbm4b:s0+s24], $0x1, s6, s24, $0xb8;
	[tilespmem:$0xCC00] =	vst v63  }
0x1ef: {  	s4 =	simm.s32 $0x6600;
	s5 =	simm.s32 $0x9A00  }
0x1f0: {  	[tilespmem:s5], [sflag:$0x1] =	stream.indirect.gather [hbm4b:s13+s24], $0x1, s4, s24, $0xb8;
	[tilespmem:$0xCC00] =	vst v63  }
0x1f1: {  	s6 =	simm.s32 $0x6680;
	s8 =	simm.s32 $0x9A80  }
0x1f2: {  	[tilespmem:s8], [sflag:$0x1] =	stream.indirect.gather [hbm4b:s13+s24], $0x1, s6, s24, $0xb8;
	[tilespmem:$0xCC00] =	vst v63  }
0x1f3: {  	s4 =	simm.s32 $0x6700;
	s5 =	simm.s32 $0x9B00  }
0x1f4: {  	[tilespmem:s5], [sflag:$0x1] =	stream.indirect.gather [hbm4b:s13+s24], $0x1, s4, s24, $0xb8;
	[tilespmem:$0xCC00] =	vst v63  }
0x1f5: {  	s6 =	simm.s32 $0x6780;
	s8 =	simm.s32 $0x9B80  }
0x1f6: {  	[tilespmem:s8], [sflag:$0x1] =	stream.indirect.gather [hbm4b:s13+s24], $0x1, s6, s24, $0xb8;
	[tilespmem:$0xCC00] =	vst v63  }
0x1f7: {  	s5 =	rddreg [dreg:$0xb]  }
0x1f8: {  	[tilespmem:s25], [sflag:$0x2] =	stream.linear.gather [hbm4b:s5+s2], $0x1A00, $0x38;
	[tilespmem:$0xCC00] =	vst v63  }
0x1f9: {  	_ =	swait.ge [sflag:s23], $0x1A00  }
0x1fa: {  	s3 =	simm.s32 $0x0;
	[sflag:s23] =	ssyncset.done $0x0  }
0x1fb: {  	s8 =	simm.s32 $0xB600;
	s6 =	rddreg [dreg:$0xd];
	[sflag:s23] =	ssyncadd.s32 $0xFFFFE600  }
0x1fc: {  	v2 =	vadd.s32 s3, v1;
	[tilespmem:s8], [sflag:$0x2] =	stream.linear.gather [hbm4b:s6+s2], $0x1400, $0x38;
	[tilespmem:$0xCC00] =	vst v63  }
0x1fd: {  	s4 =	simm.s32 $0x1;
	_ =	swait.ge [sflag:s23], $0x1400  }
0x1fe: {  	v3 =	vadd.s32 s4, v1;
	[sflag:s23] =	ssyncset.done $0x0  }
0x1ff: {  	s5 =	simm.s32 $0x2;
	[sflag:s23] =	ssyncadd.s32 $0xFFFFEC00  }
0x200: {  	v5 =	vadd.s32 s5, v1;
	v4 =	vld [tilespmem:$0xC980]  }
0x201: {  	v2 =	vld.idx.msk [tilespmem:v2+s25+$0x0], $0xffff  }
0x202: {  	s6 =	simm.s32 $0x3;
	v6 =	vld [tilespmem:$0xC300]  }
0x203: {  	v7 =	vadd.s32 s6, v1;
	v3 =	vld.idx.msk [tilespmem:v3+s25+$0x0], $0xffff  }
0x204: {  	s8 =	simm.s32 $0x4;
	v8 =	vld [tilespmem:$0xC380]  }
0x205: {  	v9 =	vadd.s32 s8, v1;
	v5 =	vld.idx.msk [tilespmem:v5+s25+$0x0], $0xffff  }
0x206: {  	s4 =	simm.s32 $0x5;
	v10 =	vld [tilespmem:$0xC400]  }
0x207: {  	v11 =	vadd.s32 s4, v1;
	s5 =	simm.s32 $0x6;
	v18 =	vld [tilespmem:$0xC480];
	v2 =	vmul.f32 v6, v2  }
0x208: {  	v12 =	vadd.s32 s5, v1;
	v17 =	vld.idx.msk [tilespmem:v7+s25+$0x0], $0xffff  }
0x209: {  	v19 =	vld [tilespmem:$0xC500];
	v3 =	vmul.f32 v8, v3;
	v2 =	vadd.f32 v2, v4  }
0x20a: {  	s6 =	simm.s32 $0x7;
	v4 =	vld.idx.msk [tilespmem:v9+s25+$0x0], $0xffff  }
0x20b: {  	v20 =	vadd.s32 s6, v1;
	v21 =	vld [tilespmem:$0xC580];
	v2 =	vadd.f32 v3, v2;
	v3 =	vmul.f32 v10, v5  }
0x20c: {  	s8 =	simm.s32 $0x8;
	v5 =	vld.idx.msk [tilespmem:v11+s25+$0x0], $0xffff  }
0x20d: {  	s4 =	simm.s32 $0x9;
	v22 =	vadd.s32 s8, v1;
	v23 =	vld.idx.msk [tilespmem:v12+s25+$0x0], $0xffff;
	v2 =	vadd.f32 v3, v2;
	v3 =	vmul.f32 v18, v17  }
0x20e: {  	v25 =	vadd.s32 s4, v1;
	v24 =	vld [tilespmem:$0xC600]  }
0x20f: {  	v26 =	vld [tilespmem:$0xC680];
	v2 =	vadd.f32 v3, v2;
	v3 =	vmul.f32 v19, v4  }
0x210: {  	s5 =	simm.s32 $0xA;
	v4 =	vld.idx.msk [tilespmem:v20+s25+$0x0], $0xffff  }
0x211: {  	v27 =	vadd.s32 s5, v1;
	v28 =	vld [tilespmem:$0xC700];
	v2 =	vadd.f32 v3, v2;
	v3 =	vmul.f32 v21, v5  }
0x212: {  	s6 =	simm.s32 $0xB;
	v5 =	vld.idx.msk [tilespmem:v22+s25+$0x0], $0xffff  }
0x213: {  	v29 =	vadd.s32 s6, v1;
	v30 =	vld.idx.msk [tilespmem:v25+s25+$0x0], $0xffff;
	v2 =	vadd.f32 v3, v2;
	v3 =	vmul.f32 v24, v23  }
0x214: {  	s8 =	simm.s32 $0xC;
	v31 =	vld [tilespmem:$0xC780]  }
0x215: {  	v32 =	vadd.s32 s8, v1;
	v33 =	vld [tilespmem:$0xC800];
	v2 =	vadd.f32 v3, v2;
	v3 =	vmul.f32 v26, v4  }
0x216: {  	v4 =	vld.idx.msk [tilespmem:v27+s25+$0x0], $0xffff  }
0x217: {  	v34 =	vld [tilespmem:$0xC880];
	v2 =	vadd.f32 v3, v2;
	v3 =	vmul.f32 v28, v5  }
0x218: {  	v5 =	vld.idx.msk [tilespmem:v29+s25+$0x0], $0xffff  }
0x219: {  	v36 =	vld [tilespmem:$0xC900];
	v2 =	vadd.f32 v3, v2;
	v3 =	vmul.f32 v31, v30  }
0x21a: {  	v35 =	vld.idx.msk [tilespmem:v32+s25+$0x0], $0xffff  }
0x21b: {  	v2 =	vadd.f32 v3, v2;
	v3 =	vmul.f32 v33, v4;
	_ =	sdelay $0x1  }
0x21c: {  	v2 =	vadd.f32 v3, v2;
	v3 =	vmul.f32 v34, v5;
	_ =	sdelay $0x1  }
0x21d: {  	s4 =	simm.s32 $0xD0;
	v2 =	vadd.f32 v3, v2;
	v3 =	vmul.f32 v36, v35  }
0x21e: {  	v4 =	vadd.s32 s4, v1  }
0x21f: {  	v2 =	vadd.f32 v3, v2  }
0x220: {  	s3 =	simm.s32 $0xCA00;
	s5 =	simm.s32 $0xD1  }
0x221: {  	s6 =	simm.s32 $0xD2;
	v3 =	vadd.s32 s5, v1;
	[tilespmem:s3+$0x0] =	vst v2  }
0x222: {  	v5 =	vadd.s32 s6, v1;
	v2 =	vld [tilespmem:$0xC980]  }
0x223: {  	s8 =	simm.s32 $0xD3;
	v4 =	vld.idx.msk [tilespmem:v4+s25+$0x0], $0xffff  }
0x224: {  	v38 =	vadd.s32 s8, v1;
	v37 =	vld [tilespmem:$0xC300]  }
0x225: {  	v39 =	vld [tilespmem:$0xC380]  }
0x226: {  	s5 =	simm.s32 $0xD4;
	v3 =	vld.idx.msk [tilespmem:v3+s25+$0x0], $0xffff  }
0x227: {  	v40 =	vadd.s32 s5, v1;
	v5 =	vld.idx.msk [tilespmem:v5+s25+$0x0], $0xffff  }
0x228: {  	s6 =	simm.s32 $0xD5;
	v41 =	vld [tilespmem:$0xC400]  }
0x229: {  	s8 =	simm.s32 $0xD6;
	v42 =	vadd.s32 s6, v1;
	v43 =	vld.idx.msk [tilespmem:v38+s25+$0x0], $0xffff;
	v4 =	vmul.f32 v37, v4  }
0x22a: {  	v45 =	vadd.s32 s8, v1;
	v44 =	vld [tilespmem:$0xC480]  }
0x22b: {  	v46 =	vld [tilespmem:$0xC500];
	v2 =	vadd.f32 v4, v2;
	v3 =	vmul.f32 v39, v3  }
0x22c: {  	s5 =	simm.s32 $0xD7;
	v4 =	vld.idx.msk [tilespmem:v40+s25+$0x0], $0xffff  }
0x22d: {  	v47 =	vadd.s32 s5, v1;
	v48 =	vld [tilespmem:$0xC580];
	v2 =	vadd.f32 v3, v2;
	v3 =	vmul.f32 v41, v5  }
0x22e: {  	s6 =	simm.s32 $0xD8;
	v5 =	vld.idx.msk [tilespmem:v42+s25+$0x0], $0xffff  }
0x22f: {  	s8 =	simm.s32 $0xD9;
	v49 =	vadd.s32 s6, v1;
	v50 =	vld.idx.msk [tilespmem:v45+s25+$0x0], $0xffff;
	v2 =	vadd.f32 v3, v2;
	v3 =	vmul.f32 v44, v43  }
0x230: {  	v52 =	vadd.s32 s8, v1;
	v51 =	vld [tilespmem:$0xC600]  }
0x231: {  	v53 =	vld [tilespmem:$0xC680];
	v2 =	vadd.f32 v3, v2;
	v3 =	vmul.f32 v46, v4  }
0x232: {  	s5 =	simm.s32 $0xDA;
	v4 =	vld.idx.msk [tilespmem:v47+s25+$0x0], $0xffff  }
0x233: {  	v54 =	vadd.s32 s5, v1;
	v55 =	vld [tilespmem:$0xC700];
	v2 =	vadd.f32 v3, v2;
	v3 =	vmul.f32 v48, v5  }
0x234: {  	s6 =	simm.s32 $0xDB;
	v5 =	vld.idx.msk [tilespmem:v49+s25+$0x0], $0xffff  }
0x235: {  	s8 =	simm.s32 $0xDC;
	v56 =	vadd.s32 s6, v1;
	v57 =	vld.idx.msk [tilespmem:v52+s25+$0x0], $0xffff;
	v2 =	vadd.f32 v3, v2;
	v3 =	vmul.f32 v51, v50  }
0x236: {  	v59 =	vadd.s32 s8, v1;
	v58 =	vld [tilespmem:$0xC780]  }
0x237: {  	v60 =	vld [tilespmem:$0xC800];
	v2 =	vadd.f32 v3, v2;
	v3 =	vmul.f32 v53, v4  }
0x238: {  	v4 =	vld.idx.msk [tilespmem:v54+s25+$0x0], $0xffff  }
0x239: {  	v61 =	vld [tilespmem:$0xC880];
	v2 =	vadd.f32 v3, v2;
	v3 =	vmul.f32 v55, v5  }
0x23a: {  	v5 =	vld.idx.msk [tilespmem:v56+s25+$0x0], $0xffff  }
0x23b: {  	v62 =	vld.idx.msk [tilespmem:v59+s25+$0x0], $0xffff;
	v2 =	vadd.f32 v3, v2;
	v3 =	vmul.f32 v58, v57  }
0x23c: {  	v63 =	vld [tilespmem:$0xC900]  }
0x23d: {  	v2 =	vadd.f32 v3, v2;
	v3 =	vmul.f32 v60, v4;
	_ =	sdelay $0x1  }
0x23e: {  	v2 =	vadd.f32 v3, v2;
	v3 =	vmul.f32 v61, v5;
	_ =	sdelay $0x1  }
0x23f: {  	s4 =	simm.s32 $0x1AC;
	s6 =	simm.s32 $0x1A0;
	s5 =	simm.s32 $0x27C;
	v2 =	vadd.f32 v3, v2;
	v3 =	vmul.f32 v63, v62  }
.LBB2_4:
0x240: {  	p0 =	sne.s32 s5, $0x193C;
	v4 =	vadd.s32 s6, v1  }
0x241: {  	s6 =	sadd.s32 $0xFFFFFFF5, s4;
	v2 =	vadd.f32 v3, v2  }
0x242: {  	s3 =	sadd.s32 $0x10, s3;
	v3 =	vadd.s32 s6, v1  }
0x243: {  	s6 =	sadd.s32 $0xFFFFFFF6, s4;
	[tilespmem:s3+$0x0] =	vst v2  }
0x244: {  	v5 =	vadd.s32 s6, v1;
	v2 =	vld [tilespmem:$0xC980]  }
0x245: {  	s6 =	sadd.s32 $0xFFFFFFF7, s4;
	v4 =	vld.idx.msk [tilespmem:v4+s25+$0x0], $0xffff  }
0x246: {  	v7 =	vadd.s32 s6, v1;
	v6 =	vld [tilespmem:$0xC300]  }
0x247: {  	s6 =	sadd.s32 $0xFFFFFFF8, s4;
	v3 =	vld.idx.msk [tilespmem:v3+s25+$0x0], $0xffff  }
0x248: {  	v9 =	vadd.s32 s6, v1;
	v8 =	vld [tilespmem:$0xC380]  }
0x249: {  	s6 =	sadd.s32 $0xFFFFFFF9, s4;
	v5 =	vld.idx.msk [tilespmem:v5+s25+$0x0], $0xffff  }
0x24a: {  	v11 =	vadd.s32 s6, v1;
	v10 =	vld [tilespmem:$0xC400]  }
0x24b: {  	s6 =	sadd.s32 $0xFFFFFFFA, s4;
	v4 =	vmul.f32 v6, v4;
	v6 =	vld.idx.msk [tilespmem:v7+s25+$0x0], $0xffff  }
0x24c: {  	v12 =	vadd.s32 s6, v1;
	v7 =	vld [tilespmem:$0xC480]  }
0x24d: {  	s6 =	sadd.s32 $0xFFFFFFFB, s4;
	v2 =	vadd.f32 v4, v2;
	v3 =	vmul.f32 v8, v3;
	v4 =	vld.idx.msk [tilespmem:v9+s25+$0x0], $0xffff  }
0x24e: {  	v9 =	vadd.s32 s6, v1;
	v8 =	vld [tilespmem:$0xC500]  }
0x24f: {  	s6 =	sadd.s32 $0xFFFFFFFC, s4;
	v2 =	vadd.f32 v3, v2;
	v3 =	vmul.f32 v10, v5;
	v5 =	vld.idx.msk [tilespmem:v11+s25+$0x0], $0xffff  }
0x250: {  	v11 =	vadd.s32 s6, v1;
	v10 =	vld [tilespmem:$0xC580]  }
0x251: {  	s6 =	sadd.s32 $0xFFFFFFFD, s4;
	v2 =	vadd.f32 v3, v2;
	v3 =	vmul.f32 v7, v6;
	v6 =	vld.idx.msk [tilespmem:v12+s25+$0x0], $0xffff  }
0x252: {  	v12 =	vadd.s32 s6, v1;
	v7 =	vld [tilespmem:$0xC600]  }
0x253: {  	s6 =	sadd.s32 $0xFFFFFFFE, s4;
	v2 =	vadd.f32 v3, v2;
	v3 =	vmul.f32 v8, v4;
	v4 =	vld.idx.msk [tilespmem:v9+s25+$0x0], $0xffff  }
0x254: {  	v9 =	vadd.s32 s6, v1;
	v8 =	vld [tilespmem:$0xC680]  }
0x255: {  	s6 =	sadd.s32 $0xFFFFFFFF, s4;
	v2 =	vadd.f32 v3, v2;
	v3 =	vmul.f32 v10, v5;
	v5 =	vld.idx.msk [tilespmem:v11+s25+$0x0], $0xffff  }
0x256: {  	v11 =	vadd.s32 s6, v1;
	v10 =	vld [tilespmem:$0xC700]  }
0x257: {  	v2 =	vadd.f32 v3, v2;
	v3 =	vmul.f32 v7, v6;
	v6 =	vld.idx.msk [tilespmem:v12+s25+$0x0], $0xffff  }
0x258: {  	v12 =	vadd.s32 s4, v1;
	s4 =	smov.u32 s5;
	v7 =	vld [tilespmem:$0xC780]  }
0x259: {  	v2 =	vadd.f32 v3, v2;
	v3 =	vmul.f32 v8, v4;
	v4 =	vld.idx.msk [tilespmem:v9+s25+$0x0], $0xffff  }
0x25a: {  	v8 =	vld [tilespmem:$0xC800]  }
0x25b: {  	v2 =	vadd.f32 v3, v2;
	v3 =	vmul.f32 v10, v5;
	v5 =	vld.idx.msk [tilespmem:v11+s25+$0x0], $0xffff  }
0x25c: {  	v9 =	vld [tilespmem:$0xC880]  }
0x25d: {  	v2 =	vadd.f32 v3, v2;
	v3 =	vmul.f32 v7, v6;
	v6 =	vld.idx.msk [tilespmem:v12+s25+$0x0], $0xffff  }
0x25e: {  	v7 =	vld [tilespmem:$0xC900]  }
.Ltmp1:
0x25f: {  	v2 =	vadd.f32 v3, v2;
	v3 =	vmul.f32 v8, v4;
	(pc) =	sbr.rel @p0 .LBB2_4-.Ltmp1, $3  }
0x260: {  	_ = 	snop  }
0x261: {  	v2 =	vadd.f32 v3, v2;
	v3 =	vmul.f32 v9, v5;
	_ =	sdelay $0x1  }
0x262: {  	s5 =	sadd.s32 $0xD0, s5;
	s6 =	sadd.s32 $0xFFFFFFF4, s4;
	v2 =	vadd.f32 v3, v2;
	v3 =	vmul.f32 v7, v6  }
0x263: {  	_ = 	snop  }
0x264: {  	v4 =	vadd.s32 s6, v1;
	v2 =	vadd.f32 v3, v2  }
0x265: {  	s5 =	sadd.s32 $0xFFFFFFF5, s4;
	s3 =	sadd.s32 $0x10, s3  }
0x266: {  	v3 =	vadd.s32 s5, v1;
	[tilespmem:s3+$0x0] =	vst v2  }
0x267: {  	s6 =	sadd.s32 $0xFFFFFFF6, s4;
	v2 =	vld [tilespmem:$0xC980]  }
0x268: {  	v5 =	vadd.s32 s6, v1;
	v6 =	vld [tilespmem:$0xC300]  }
0x269: {  	s8 =	sadd.s32 $0xFFFFFFF7, s4;
	v4 =	vld.idx.msk [tilespmem:v4+s25+$0x0], $0xffff  }
0x26a: {  	v7 =	vadd.s32 s8, v1;
	v8 =	vld [tilespmem:$0xC380]  }
0x26b: {  	s6 =	sadd.s32 $0xFFFFFFF8, s4;
	v3 =	vld.idx.msk [tilespmem:v3+s25+$0x0], $0xffff  }
0x26c: {  	v9 =	vadd.s32 s6, v1;
	v10 =	vld [tilespmem:$0xC400]  }
0x26d: {  	s8 =	sadd.s32 $0xFFFFFFF9, s4;
	v5 =	vld.idx.msk [tilespmem:v5+s25+$0x0], $0xffff  }
0x26e: {  	v11 =	vadd.s32 s8, v1;
	v39 =	vld [tilespmem:$0xC480];
	v4 =	vmul.f32 v6, v4  }
0x26f: {  	s6 =	sadd.s32 $0xFFFFFFFA, s4;
	v38 =	vld.idx.msk [tilespmem:v7+s25+$0x0], $0xffff  }
0x270: {  	v12 =	vadd.s32 s6, v1;
	v41 =	vld [tilespmem:$0xC500];
	v3 =	vmul.f32 v8, v3;
	v2 =	vadd.f32 v4, v2  }
0x271: {  	s8 =	sadd.s32 $0xFFFFFFFB, s4;
	v40 =	vld.idx.msk [tilespmem:v9+s25+$0x0], $0xffff  }
0x272: {  	v42 =	vadd.s32 s8, v1;
	v44 =	vld [tilespmem:$0xC580];
	v2 =	vadd.f32 v3, v2;
	v3 =	vmul.f32 v10, v5  }
0x273: {  	s6 =	sadd.s32 $0xFFFFFFFC, s4;
	v43 =	vld.idx.msk [tilespmem:v11+s25+$0x0], $0xffff  }
0x274: {  	v45 =	vadd.s32 s6, v1;
	v47 =	vld [tilespmem:$0xC600];
	v2 =	vadd.f32 v3, v2;
	v3 =	vmul.f32 v39, v38  }
0x275: {  	s8 =	sadd.s32 $0xFFFFFFFD, s4;
	v46 =	vld.idx.msk [tilespmem:v12+s25+$0x0], $0xffff  }
0x276: {  	v48 =	vadd.s32 s8, v1;
	v50 =	vld [tilespmem:$0xC680];
	v2 =	vadd.f32 v3, v2;
	v3 =	vmul.f32 v41, v40  }
0x277: {  	s6 =	sadd.s32 $0xFFFFFFFE, s4;
	v49 =	vld.idx.msk [tilespmem:v42+s25+$0x0], $0xffff  }
0x278: {  	v53 =	vld [tilespmem:$0xC700];
	v51 =	vadd.s32 s6, v1;
	v2 =	vadd.f32 v3, v2;
	v3 =	vmul.f32 v44, v43  }
0x279: {  	s8 =	sadd.s32 $0xFFFFFFFF, s4;
	v52 =	vld.idx.msk [tilespmem:v45+s25+$0x0], $0xffff  }
0x27a: {  	v56 =	vld [tilespmem:$0xC780];
	v54 =	vadd.s32 s8, v1;
	v2 =	vadd.f32 v3, v2;
	v3 =	vmul.f32 v47, v46  }
0x27b: {  	v55 =	vld.idx.msk [tilespmem:v48+s25+$0x0], $0xffff  }
0x27c: {  	v57 =	vadd.s32 s4, v1;
	v59 =	vld [tilespmem:$0xC800];
	v2 =	vadd.f32 v3, v2;
	v3 =	vmul.f32 v50, v49  }
0x27d: {  	v58 =	vld.idx.msk [tilespmem:v51+s25+$0x0], $0xffff  }
0x27e: {  	v61 =	vld [tilespmem:$0xC880];
	v2 =	vadd.f32 v3, v2;
	v3 =	vmul.f32 v53, v52  }
0x27f: {  	v60 =	vld.idx.msk [tilespmem:v54+s25+$0x0], $0xffff  }
0x280: {  	v63 =	vld [tilespmem:$0xC900];
	v2 =	vadd.f32 v3, v2;
	v3 =	vmul.f32 v56, v55  }
0x281: {  	v62 =	vld.idx.msk [tilespmem:v57+s25+$0x0], $0xffff  }
0x282: {  	v2 =	vadd.f32 v3, v2;
	v3 =	vmul.f32 v59, v58;
	_ =	sdelay $0x1  }
0x283: {  	v2 =	vadd.f32 v3, v2;
	v3 =	vmul.f32 v61, v60;
	_ =	sdelay $0x1  }
0x284: {  	v2 =	vadd.f32 v3, v2;
	v3 =	vmul.f32 v63, v62;
	_ =	sdelay $0x1  }
0x285: {  	v2 =	vadd.f32 v3, v2  }
0x286: {  	s3 =	sadd.s32 $0x10, s3  }
0x287: {  	[tilespmem:s3+$0x0] =	vst v2;
	s3 =	simm.s32 $0x68  }
.LBB2_6:
0x288: {  	p0 =	sne.s32 s3, $0x1  }
.Ltmp2:
0x289: {  	_ = 	snop;
	(pc) =	sbr.rel @p0 .LBB2_6-.Ltmp2, $4  }
0x28a: {  	_ = 	snop  }
0x28b: {  	_ =	swait.ge [sflag:s21], $0x80  }
0x28c: {  	[sflag:s21] =	ssyncset.done $0x0  }
0x28d: {  	s3 =	sadd.s32 $0xFFFFFFFF, s3;
	[sflag:s21] =	ssyncadd.s32 $0xFFFFFF80  }
0x28e: {  	s3 =	simm.s32 $0xCA00;
	v4 =	vld [tilespmem:$0xB600]  }
0x28f: {  	s5 =	simm.s32 $0x6800;
	s4 =	simm.s32 $0x0;
	v2 =	vld [tilespmem:s3+$0x0]  }
0x290: {  	s6 =	simm.s32 $0x10;
	v3 =	vld [tilespmem:s5+$0x0];
	s4 =	sand.u32 $0x1F0, s4  }
.LBB2_8:
0x291: {  	p0 =	sne.s32 s6, $0x1F0;
	v5 =	vld [tilespmem:s4+$0x6A00]  }
0x292: {  	v6 =	vld [tilespmem:$0xB680]  }
0x293: {  	v7 =	vld [tilespmem:s4+$0x6C00]  }
0x294: {  	v8 =	vld [tilespmem:$0xB700]  }
0x295: {  	v3 =	vmul.f32 v4, v3;
	v4 =	vld [tilespmem:s4+$0x6E00]  }
0x296: {  	v9 =	vld [tilespmem:$0xB780]  }
0x297: {  	v2 =	vadd.f32 v3, v2;
	v3 =	vmul.f32 v6, v5;
	v5 =	vld [tilespmem:s4+$0x7000]  }
0x298: {  	v6 =	vld [tilespmem:$0xB800]  }
0x299: {  	v2 =	vadd.f32 v3, v2;
	v3 =	vmul.f32 v8, v7;
	v7 =	vld [tilespmem:s4+$0x7200]  }
0x29a: {  	v8 =	vld [tilespmem:$0xB880]  }
0x29b: {  	v2 =	vadd.f32 v3, v2;
	v3 =	vmul.f32 v9, v4;
	v4 =	vld [tilespmem:s4+$0x7400]  }
0x29c: {  	v9 =	vld [tilespmem:$0xB900]  }
0x29d: {  	v2 =	vadd.f32 v3, v2;
	v3 =	vmul.f32 v6, v5;
	v5 =	vld [tilespmem:s4+$0x7600]  }
0x29e: {  	v6 =	vld [tilespmem:$0xB980]  }
0x29f: {  	v2 =	vadd.f32 v3, v2;
	v3 =	vmul.f32 v8, v7;
	v7 =	vld [tilespmem:s4+$0x7800]  }
0x2a0: {  	v8 =	vld [tilespmem:$0xBA00]  }
0x2a1: {  	v2 =	vadd.f32 v3, v2;
	v3 =	vmul.f32 v9, v4;
	v4 =	vld [tilespmem:s4+$0x7A00]  }
0x2a2: {  	v9 =	vld [tilespmem:$0xBA80]  }
0x2a3: {  	v2 =	vadd.f32 v3, v2;
	v3 =	vmul.f32 v6, v5;
	v5 =	vld [tilespmem:s4+$0x7C00]  }
0x2a4: {  	v6 =	vld [tilespmem:$0xBB00]  }
0x2a5: {  	v2 =	vadd.f32 v3, v2;
	v3 =	vmul.f32 v8, v7;
	v7 =	vld [tilespmem:s4+$0x7E00]  }
0x2a6: {  	v8 =	vld [tilespmem:$0xBB80]  }
0x2a7: {  	v2 =	vadd.f32 v3, v2;
	v3 =	vmul.f32 v9, v4;
	v4 =	vld [tilespmem:s4+$0x8000]  }
0x2a8: {  	v9 =	vld [tilespmem:$0xBC00]  }
0x2a9: {  	v2 =	vadd.f32 v3, v2;
	v3 =	vmul.f32 v6, v5;
	v5 =	vld [tilespmem:s4+$0x8200]  }
0x2aa: {  	v6 =	vld [tilespmem:$0xBC80]  }
0x2ab: {  	v2 =	vadd.f32 v3, v2;
	v3 =	vmul.f32 v8, v7;
	v7 =	vld [tilespmem:s4+$0x8400]  }
0x2ac: {  	v8 =	vld [tilespmem:$0xBD00]  }
0x2ad: {  	v2 =	vadd.f32 v3, v2;
	v3 =	vmul.f32 v9, v4;
	v4 =	vld [tilespmem:s4+$0x8600]  }
0x2ae: {  	v9 =	vld [tilespmem:$0xBD80]  }
0x2af: {  	v2 =	vadd.f32 v3, v2;
	v3 =	vmul.f32 v6, v5;
	v5 =	vld [tilespmem:s4+$0x8800]  }
0x2b0: {  	v6 =	vld [tilespmem:$0xBE00]  }
0x2b1: {  	v2 =	vadd.f32 v3, v2;
	v3 =	vmul.f32 v8, v7;
	v7 =	vld [tilespmem:s4+$0x8A00]  }
0x2b2: {  	v8 =	vld [tilespmem:$0xBE80]  }
0x2b3: {  	v2 =	vadd.f32 v3, v2;
	v3 =	vmul.f32 v9, v4;
	v4 =	vld [tilespmem:s4+$0x8C00]  }
0x2b4: {  	v9 =	vld [tilespmem:$0xBF00]  }
0x2b5: {  	v2 =	vadd.f32 v3, v2;
	v3 =	vmul.f32 v6, v5;
	v5 =	vld [tilespmem:s4+$0x8E00]  }
0x2b6: {  	v6 =	vld [tilespmem:$0xBF80]  }
0x2b7: {  	v2 =	vadd.f32 v3, v2;
	v3 =	vmul.f32 v8, v7;
	v7 =	vld [tilespmem:s4+$0x9000]  }
0x2b8: {  	v8 =	vld [tilespmem:$0xC000]  }
0x2b9: {  	v2 =	vadd.f32 v3, v2;
	v3 =	vmul.f32 v9, v4;
	v4 =	vld [tilespmem:s4+$0x9200]  }
0x2ba: {  	v9 =	vld [tilespmem:$0xC080]  }
0x2bb: {  	v2 =	vadd.f32 v3, v2;
	v3 =	vmul.f32 v6, v5;
	v5 =	vld [tilespmem:s4+$0x9400]  }
0x2bc: {  	v6 =	vld [tilespmem:$0xC100]  }
0x2bd: {  	v2 =	vadd.f32 v3, v2;
	v3 =	vmul.f32 v8, v7;
	v7 =	vld [tilespmem:s4+$0x9600]  }
0x2be: {  	v8 =	vld [tilespmem:$0xC180]  }
0x2bf: {  	v2 =	vadd.f32 v3, v2;
	v3 =	vmul.f32 v9, v4;
	v4 =	vld [tilespmem:s4+$0x9800]  }
0x2c0: {  	v9 =	vld [tilespmem:$0xC200]  }
0x2c1: {  	v2 =	vadd.f32 v3, v2;
	v3 =	vmul.f32 v6, v5;
	v5 =	vld [tilespmem:s4+$0x9A00]  }
0x2c2: {  	v6 =	vld [tilespmem:$0xC280]  }
0x2c3: {  	v2 =	vadd.f32 v3, v2;
	v3 =	vmul.f32 v8, v7;
	_ =	sdelay $0x1  }
0x2c4: {  	v2 =	vadd.f32 v3, v2;
	v3 =	vmul.f32 v9, v4;
	_ =	sdelay $0x1  }
0x2c5: {  	v2 =	vadd.f32 v3, v2;
	v3 =	vmul.f32 v6, v5;
	_ =	sdelay $0x1  }
0x2c6: {  	v2 =	vadd.f32 v3, v2  }
.Ltmp3:
0x2c7: {  	(pc) =	sbr.rel @p0 .LBB2_8-.Ltmp3, $4  }
0x2c8: {  	[tilespmem:s3+$0x0] =	vst v2;
	s3 =	sadd.s32 $0x10, s3  }
0x2c9: {  	s5 =	sadd.s32 $0x10, s5;
	v2 =	vld [tilespmem:s3+$0x0]  }
0x2ca: {  	v3 =	vld [tilespmem:s5+$0x0]  }
0x2cb: {  	s4 =	sand.u32 $0x1F0, s6;
	s6 =	sadd.s32 $0x10, s6;
	v4 =	vld [tilespmem:$0xB600]  }
0x2cc: {  	v5 =	vld [tilespmem:s4+$0x6A00]  }
0x2cd: {  	v6 =	vld [tilespmem:$0xB680]  }
0x2ce: {  	v7 =	vld [tilespmem:s4+$0x6C00]  }
0x2cf: {  	v8 =	vld [tilespmem:$0xB700]  }
0x2d0: {  	v19 =	vld [tilespmem:s4+$0x6E00];
	v3 =	vmul.f32 v4, v3  }
0x2d1: {  	v9 =	vld [tilespmem:$0xB780]  }
0x2d2: {  	v20 =	vld [tilespmem:s4+$0x7000];
	v2 =	vadd.f32 v3, v2;
	v3 =	vmul.f32 v6, v5  }
0x2d3: {  	v21 =	vld [tilespmem:$0xB800]  }
0x2d4: {  	v22 =	vld [tilespmem:s4+$0x7200];
	v2 =	vadd.f32 v3, v2;
	v3 =	vmul.f32 v8, v7  }
0x2d5: {  	v23 =	vld [tilespmem:$0xB880]  }
0x2d6: {  	v24 =	vld [tilespmem:s4+$0x7400];
	v2 =	vadd.f32 v3, v2;
	v3 =	vmul.f32 v9, v19  }
0x2d7: {  	v25 =	vld [tilespmem:$0xB900]  }
0x2d8: {  	v26 =	vld [tilespmem:s4+$0x7600];
	v2 =	vadd.f32 v3, v2;
	v3 =	vmul.f32 v21, v20  }
0x2d9: {  	v27 =	vld [tilespmem:$0xB980]  }
0x2da: {  	v28 =	vld [tilespmem:s4+$0x7800];
	v2 =	vadd.f32 v3, v2;
	v3 =	vmul.f32 v23, v22  }
0x2db: {  	v29 =	vld [tilespmem:$0xBA00]  }
0x2dc: {  	v30 =	vld [tilespmem:s4+$0x7A00];
	v2 =	vadd.f32 v3, v2;
	v3 =	vmul.f32 v25, v24  }
0x2dd: {  	v31 =	vld [tilespmem:$0xBA80]  }
0x2de: {  	v32 =	vld [tilespmem:s4+$0x7C00];
	v2 =	vadd.f32 v3, v2;
	v3 =	vmul.f32 v27, v26  }
0x2df: {  	v33 =	vld [tilespmem:$0xBB00]  }
0x2e0: {  	v34 =	vld [tilespmem:s4+$0x7E00];
	v2 =	vadd.f32 v3, v2;
	v3 =	vmul.f32 v29, v28  }
0x2e1: {  	v35 =	vld [tilespmem:$0xBB80]  }
0x2e2: {  	v36 =	vld [tilespmem:s4+$0x8000];
	v2 =	vadd.f32 v3, v2;
	v3 =	vmul.f32 v31, v30  }
0x2e3: {  	v37 =	vld [tilespmem:$0xBC00]  }
0x2e4: {  	v38 =	vld [tilespmem:s4+$0x8200];
	v2 =	vadd.f32 v3, v2;
	v3 =	vmul.f32 v33, v32  }
0x2e5: {  	v39 =	vld [tilespmem:$0xBC80]  }
0x2e6: {  	v40 =	vld [tilespmem:s4+$0x8400];
	v2 =	vadd.f32 v3, v2;
	v3 =	vmul.f32 v35, v34  }
0x2e7: {  	v41 =	vld [tilespmem:$0xBD00]  }
0x2e8: {  	v42 =	vld [tilespmem:s4+$0x8600];
	v2 =	vadd.f32 v3, v2;
	v3 =	vmul.f32 v37, v36  }
0x2e9: {  	v43 =	vld [tilespmem:$0xBD80]  }
0x2ea: {  	v44 =	vld [tilespmem:s4+$0x8800];
	v2 =	vadd.f32 v3, v2;
	v3 =	vmul.f32 v39, v38  }
0x2eb: {  	v45 =	vld [tilespmem:$0xBE00]  }
0x2ec: {  	v46 =	vld [tilespmem:s4+$0x8A00];
	v2 =	vadd.f32 v3, v2;
	v3 =	vmul.f32 v41, v40  }
0x2ed: {  	v47 =	vld [tilespmem:$0xBE80]  }
0x2ee: {  	v48 =	vld [tilespmem:s4+$0x8C00];
	v2 =	vadd.f32 v3, v2;
	v3 =	vmul.f32 v43, v42  }
0x2ef: {  	v49 =	vld [tilespmem:$0xBF00]  }
0x2f0: {  	v50 =	vld [tilespmem:s4+$0x8E00];
	v2 =	vadd.f32 v3, v2;
	v3 =	vmul.f32 v45, v44  }
0x2f1: {  	v51 =	vld [tilespmem:$0xBF80]  }
0x2f2: {  	v52 =	vld [tilespmem:s4+$0x9000];
	v2 =	vadd.f32 v3, v2;
	v3 =	vmul.f32 v47, v46  }
0x2f3: {  	v53 =	vld [tilespmem:$0xC000]  }
0x2f4: {  	v54 =	vld [tilespmem:s4+$0x9200];
	v2 =	vadd.f32 v3, v2;
	v3 =	vmul.f32 v49, v48  }
0x2f5: {  	v55 =	vld [tilespmem:$0xC080]  }
0x2f6: {  	v56 =	vld [tilespmem:s4+$0x9400];
	v2 =	vadd.f32 v3, v2;
	v3 =	vmul.f32 v51, v50  }
0x2f7: {  	v57 =	vld [tilespmem:$0xC100]  }
0x2f8: {  	v58 =	vld [tilespmem:s4+$0x9600];
	v2 =	vadd.f32 v3, v2;
	v3 =	vmul.f32 v53, v52  }
0x2f9: {  	v59 =	vld [tilespmem:$0xC180]  }
0x2fa: {  	v60 =	vld [tilespmem:s4+$0x9800];
	v2 =	vadd.f32 v3, v2;
	v3 =	vmul.f32 v55, v54  }
0x2fb: {  	v61 =	vld [tilespmem:$0xC200]  }
0x2fc: {  	v62 =	vld [tilespmem:s4+$0x9A00];
	v2 =	vadd.f32 v3, v2;
	v3 =	vmul.f32 v57, v56  }
0x2fd: {  	v63 =	vld [tilespmem:$0xC280]  }
0x2fe: {  	v2 =	vadd.f32 v3, v2;
	v3 =	vmul.f32 v59, v58;
	_ =	sdelay $0x1  }
0x2ff: {  	v2 =	vadd.f32 v3, v2;
	v3 =	vmul.f32 v61, v60;
	_ =	sdelay $0x1  }
0x300: {  	v2 =	vadd.f32 v3, v2;
	v3 =	vmul.f32 v63, v62;
	_ =	sdelay $0x1  }
0x301: {  	v2 =	vadd.f32 v3, v2;
	_ =	sdelay $0x1  }
0x302: {  	s5 =	rddreg [dreg:$0x9];
	s6 =	simm.s32 $0xCA00;
	[tilespmem:s3+$0x0] =	vst v2  }
0x303: {  	[hbm4b:s5+s2] =	stream.linear.scatter [tilespmem:s6], [sflag:$0x2], $0x200, $0x38;
	[tilespmem:$0xCC00] =	vst v63  }
0x304: {  	_ =	swait.ge [sflag:s23], $0x200  }
0x305: {  	s1 =	sadd.s32 $0x1, s1;
	s8 =	rddreg [dreg:$0xc]  }
0x306: {  	p0 =	sne.s32 s1, s8  }
.Ltmp4:
0x307: {  	_ = 	snop;
	(pc) =	sbr.rel @p0 .LBB2_1-.Ltmp4, $3  }
0x308: {  	_ =	sdelay $0x1  }
0x309: {  	[sflag:s23] =	ssyncset.done $0x0  }
0x30a: {  	[sflag:s23] =	ssyncadd.s32 $0xFFFFFE00  }
0x30b: {  	_ =	sfence.sel $0x180000  }
0x30c: {  	[bflag:$0x0] =	sbarrier.arrive $0xFFFF  }
0x30d: {  	_ =	strace $0x90000047  }
0x30e: {  	s0 =	stileid.u32;
	[bflag:$0x2] =	sbarrier.arrive $0xFFFF  }
0x30f: {  	p0 =	sne.s32 s0, $0x0;
	s0 =	rddreg [dreg:$0x2]  }
0x310: {  	s0 =	sadd.s32 @!p0 $0x100000, s0  }
0x311: {  	[sflag:s0] =	ssyncadd.tile.s32 @!p0 $0x1;
	_ =	shalt  }
.Lfunc_end2:
_tile_overlayer_lowered:
.L_overlay_start_2:
0x312: {  	(tag) =	ssettag $0x2  }
0x313: {  	s0 =	rddreg [dreg:$0x0];
	s2 =	stileid.u32  }
0x314: {  	s1 =	rddreg [dreg:$0x1];
	p0 =	sne.s32 s2, $0x0  }
0x315: {  	s3 =	rddreg [dreg:$0x2];
	[bflag:$0x3] =	sbarrier.arrive $0xFFFF;
	s2 =	simm.s32 @!p0 $0x1C02  }
0x316: {  	[timem:s3], [sflag:s2] =	dma.local @!p0 [hbm:s0], s1  }
0x317: {  	s0 =	simm.s32 @!p0 $0x2  }
0x318: {  	_ =	swait.ge @!p0 [sflag:s0], s1  }
0x319: {  	s1 =	ssub.s32 @!p0 $0x0, s1;
	[sflag:s0] =	ssyncset.done @!p0 $0x0  }
0x31a: {  	[sflag:s0] =	ssyncadd.s32 @!p0 s1  }
0x31b: {  	[bflag:$0x3] =	sbarrier.arrive $0xFFFF  }
0x31c: {  	_ =	shalt  }

</sc_bundles>
